<compile_context>
chip_gen: v7x
topology: tpu7x:2x2x1
jax: 0.10.2.dev20260603
libtpu: 0.0.44.dev20260713+nightly
codegen_flags: <defaults>
</compile_context>

<pallas_src>
import functools

import jax
import jax.numpy as jnp
from jax import lax
from jax.experimental import pallas as pl
from jax.experimental.pallas import tpu as pltpu
from jax.experimental.pallas import tpu_sc as plsc
from jax._src.pallas import mpmd as _mpmd

N = 9000000
B = 1024
D = 256
GAMMA = 0.8
EPS = 1e-14
RHO = 8.0
BETA_U = 0.9
ETA = 0.01
GRAD_CLIP = 5.0
TAU_MIN = 0.001
TAU_MAX = 1.0
ALPHA = 0.5

NC = 2
NS = 16
NW = NC * NS
BPW = B // NW

_PREC = lax.Precision.HIGHEST


def _worker_base():
    wid = lax.axis_index("s") * NC + lax.axis_index("c")
    return wid * BPW


def _gather_body(ids_hbm, b0, b1, b2, b3, b4, b5, b6, b7, out_hbm,
                 idx_v, val_v, sem):
    base = _worker_base()
    pltpu.sync_copy(ids_hbm.at[pl.ds(base, BPW)], idx_v)
    bufs = (b0, b1, b2, b3, b4, b5, b6, b7)
    descs = []
    for k, buf in enumerate(bufs):
        descs.append(pltpu.async_copy(buf.at[idx_v], val_v.at[k], sem))
    for d in descs:
        d.wait()
    descs = []
    for k in range(8):
        descs.append(
            pltpu.async_copy(val_v.at[k], out_hbm.at[k, pl.ds(base, BPW)],
                             sem))
    for d in descs:
        d.wait()


@functools.lru_cache(maxsize=None)
def _get_sc_gather():
    mesh = plsc.VectorSubcoreMesh(core_axis_name="c", subcore_axis_name="s")
    return pl.kernel(
        _gather_body,
        out_type=jax.ShapeDtypeStruct((8, B), jnp.float32),
        mesh=mesh,
        scratch_types=[
            pltpu.VMEM((BPW,), jnp.int32),
            pltpu.VMEM((8, BPW), jnp.float32),
            pltpu.SemaphoreType.DMA,
        ],
    )


def _dense_body(zis_ref, zjs_ref, g_ref, idr_ref, v_ref, s_ref):
    z_i = zis_ref[:, :]
    z_j = zjs_ref[:, :]
    z_i = z_i / jnp.maximum(
        jnp.sqrt(jnp.sum(z_i * z_i, axis=1, keepdims=True)), 1e-12)
    z_j = z_j / jnp.maximum(
        jnp.sqrt(jnp.sum(z_j * z_j, axis=1, keepdims=True)), 1e-12)

    dn = (((1,), (1,)), ((), ()))
    dn0 = (((0,), (0,)), ((), ()))
    sim = lax.dot_general(z_i, z_j, dn, precision=lax.Precision.DEFAULT,
                          preferred_element_type=jnp.float32)
    simT = lax.dot_general(z_j, z_i, dn, precision=lax.Precision.DEFAULT,
                           preferred_element_type=jnp.float32)

    rc = lax.broadcasted_iota(jnp.int32, (B, B), 0)
    cc = lax.broadcasted_iota(jnp.int32, (B, B), 1)
    ondiag = rc == cc
    diag_col = jnp.sum(jnp.where(ondiag, sim, 0.0), axis=1, keepdims=True)

    i8 = lax.broadcasted_iota(jnp.int32, (8, 8), 0)
    j8 = lax.broadcasted_iota(jnp.int32, (8, 8), 1)
    eye8 = jnp.where(i8 == j8, 1.0, 0.0)
    g = lax.dot_general(g_ref[:, :], eye8, dn0, precision=_PREC,
                        preferred_element_type=jnp.float32)
    s_i_old = g[:, 0:1]
    s_t_old = g[:, 1:2]
    b_i_old = g[:, 2:3]
    b_t_old = g[:, 3:4]
    tau_i = g[:, 4:5]
    tau_t = g[:, 5:6]
    u_i_old = g[:, 6:7]
    u_t_old = g[:, 7:8]

    def side(mat, tau_col, b_old, s_old, u_old):
        inv_tau = 1.0 / tau_col
        dmax = jnp.max(mat, axis=1, keepdims=True) - diag_col
        b_new = jnp.maximum(dmax * inv_tau, b_old)
        off = inv_tau * diag_col + b_new
        e = jnp.where(ondiag, 0.0, jnp.exp(mat * inv_tau - off))
        se = jnp.sum(e, axis=1, keepdims=True)
        sem_ = jnp.sum(e * mat, axis=1, keepdims=True)
        sediffs = sem_ - diag_col * se
        sedt = sediffs * inv_tau
        s_new = (1.0 - GAMMA) * s_old * jnp.exp(b_old - b_new) + GAMMA * se
        s_c = jnp.maximum(s_new, EPS)
        loss_col = sediffs / s_c
        grad_tau = (jnp.log(s_c) + b_new + RHO
                    - sedt / s_c / (B - 1))
        u_new = (1.0 - BETA_U) * u_old + BETA_U * jnp.clip(
            grad_tau, -GRAD_CLIP, GRAD_CLIP)
        tau_new = jnp.clip(tau_col - ETA * u_new, TAU_MIN, TAU_MAX)
        return b_new, s_new, u_new, tau_new, loss_col

    b_i_new, s_i_new, u_i_new, tau_i_new, iloss = side(
        sim, tau_i, b_i_old, s_i_old, u_i_old)
    b_t_new, s_t_new, u_t_new, tau_t_new, tloss = side(
        simT, tau_t, b_t_old, s_t_old, u_t_old)

    total_loss = ALPHA * jnp.mean(iloss) + (1.0 - ALPHA) * jnp.mean(tloss)
    avg_i = jnp.mean(tau_i)
    avg_t = jnp.mean(tau_t)

    idr = idr_ref[:, :].astype(jnp.float32)
    idc = lax.dot_general(idr, jnp.ones((1, 1), jnp.float32), dn0,
                          precision=_PREC,
                          preferred_element_type=jnp.float32)
    eq = idc == idr
    last = jnp.max(jnp.where(eq, cc, -1), axis=1, keepdims=True)
    sel = jnp.where(cc == last, 1.0, 0.0)

    v = jnp.concatenate(
        [s_i_new, s_t_new, b_i_new, b_t_new,
         tau_i_new, tau_t_new, u_i_new, u_t_new], axis=1)
    v_ref[:, :] = lax.dot_general(v, sel, (((0,), (1,)), ((), ())),
                                  precision=_PREC,
                                  preferred_element_type=jnp.float32)

    lane = lax.broadcasted_iota(jnp.int32, (1, 128), 1)
    s_ref[:, :] = jnp.where(
        lane == 0, total_loss,
        jnp.where(lane == 1, avg_i, jnp.where(lane == 2, avg_t, 0.0)))


def _dense(zis, zjs, g8, ids_row):
    return pl.pallas_call(
        _dense_body,
        out_shape=[
            jax.ShapeDtypeStruct((8, B), jnp.float32),
            jax.ShapeDtypeStruct((1, 128), jnp.float32),
        ],
    )(zis, zjs, g8, ids_row)


def _scatter_body(b0, b1, b2, b3, b4, b5, b6, b7, ids_hbm, vals_hbm,
                  o0, o1, o2, o3, o4, o5, o6, o7, idx_v, val_v, sem):
    del b0, b1, b2, b3, b4, b5, b6, b7
    base = _worker_base()
    descs = [pltpu.async_copy(ids_hbm.at[pl.ds(base, BPW)], idx_v, sem)]
    for k in range(8):
        descs.append(
            pltpu.async_copy(vals_hbm.at[k, pl.ds(base, BPW)], val_v.at[k],
                             sem))
    for d in descs:
        d.wait()
    outs = (o0, o1, o2, o3, o4, o5, o6, o7)
    descs = []
    for k, out in enumerate(outs):
        descs.append(pltpu.async_copy(val_v.at[k], out.at[idx_v], sem))
    for d in descs:
        d.wait()


@functools.lru_cache(maxsize=None)
def _get_sc_scatter():
    mesh = plsc.VectorSubcoreMesh(core_axis_name="c", subcore_axis_name="s")
    return _mpmd._mpmd_map(
        [(mesh, _scatter_body)],
        out_types=[jax.ShapeDtypeStruct((N,), jnp.float32)] * 8,
        input_output_aliases={i: i for i in range(8)},
        scratch_types=[
            pltpu.VMEM((BPW,), jnp.int32),
            pltpu.VMEM((8, BPW), jnp.float32),
            pltpu.SemaphoreType.DMA,
        ],
    )


def kernel(zis, zjs, ids, s_I, s_T, b_I, b_T, tau_I, tau_T, u_I, u_T):
    bufs = (s_I, s_T, b_I, b_T, tau_I, tau_T, u_I, u_T)
    g8 = _get_sc_gather()(ids, *bufs)
    v8, s = _dense(zis, zjs, g8, ids.reshape(1, B))
    outs = _get_sc_scatter()(*bufs, ids, v8)
    return (s[0, 0], s[0, 1], s[0, 2], *outs)

# --- scband reference (transcript-rebuilt; emitter-appended) ---
"""Pipeline reference for scband-i-sog-clr-loss-22643067584621 (READ-ONLY COPY).

The authoritative reference and input builder live on the scoring server;
editing this copy changes nothing except your own understanding.
"""

import jax, jax.numpy as jnp
import numpy as np

N = 9000000
B = 1024
D = 256
GAMMA = 0.8
EPS = 1e-14
RHO = 8.0
TAU_INIT = 0.07
BETA_U = 0.9
ETA = 0.01
GRAD_CLIP = 5.0
TAU_MIN = 0.001
TAU_MAX = 1.0
ALPHA = 0.5


def setup_inputs(seed: int = 0) -> dict:
    key = jax.random.key(seed)
    k1, k2, k3 = jax.random.split(key, 3)
    zis = jax.random.normal(k1, (B, D), dtype=jnp.float32)
    zjs = jax.random.normal(k2, (B, D), dtype=jnp.float32)
    ids = jax.random.randint(k3, (B,), 0, N, dtype=jnp.int32)
    return {
        "zis": zis,
        "zjs": zjs,
        "ids": ids,
        "s_I": jnp.zeros((N,), jnp.float32),
        "s_T": jnp.zeros((N,), jnp.float32),
        "b_I": jnp.zeros((N,), jnp.float32),
        "b_T": jnp.zeros((N,), jnp.float32),
        "tau_I": jnp.full((N,), TAU_INIT, jnp.float32),
        "tau_T": jnp.full((N,), TAU_INIT, jnp.float32),
        "u_I": jnp.zeros((N,), jnp.float32),
        "u_T": jnp.zeros((N,), jnp.float32),
    }


def reference(zis, zjs, ids, s_I, s_T, b_I, b_T, tau_I, tau_T, u_I, u_T):
    zis = zis / jnp.maximum(jnp.linalg.norm(zis, axis=1, keepdims=True), 1e-12)
    zjs = zjs / jnp.maximum(jnp.linalg.norm(zjs, axis=1, keepdims=True), 1e-12)
    sim = jnp.einsum('id,jd->ij', zis, zjs)
    diag_sim = jnp.diagonal(sim)
    image_diffs = sim - diag_sim[:, None]
    text_diffs = sim - diag_sim[None, :]
    tau_image = tau_I[ids]
    tau_text = tau_T[ids]
    image_diffs_d_temps = jax.lax.stop_gradient(image_diffs / tau_image[:, None])
    text_diffs_d_temps = jax.lax.stop_gradient(text_diffs / tau_text[None, :])
    old_b_I = b_I[ids]
    new_b_I = jnp.maximum(image_diffs_d_temps, jnp.tile(old_b_I[:, None], (1, B)))
    b_I_vec = jnp.max(new_b_I, axis=1)
    b_I = b_I.at[ids].set(b_I_vec)
    old_b_T = b_T[ids]
    new_b_T = jnp.maximum(text_diffs_d_temps, jnp.tile(old_b_T[None, :], (B, 1)))
    b_T_vec = jnp.max(new_b_T, axis=0)
    b_T = b_T.at[ids].set(b_T_vec)
    mask_neg = 1.0 - jnp.eye(B, dtype=jnp.float32)
    exp_image_diffs = jnp.exp(image_diffs_d_temps - b_I_vec[:, None]) * mask_neg
    exp_text_diffs = jnp.exp(text_diffs_d_temps - b_T_vec[None, :]) * mask_neg
    g_I = jnp.sum(exp_image_diffs, axis=1, keepdims=True)
    g_T = jnp.sum(exp_text_diffs, axis=0, keepdims=True)
    s_I_vec = (1.0 - GAMMA) * s_I[ids] * jnp.exp(old_b_I - b_I_vec) + GAMMA * jnp.squeeze(g_I)
    s_T_vec = (1.0 - GAMMA) * s_T[ids] * jnp.exp(old_b_T - b_T_vec) + GAMMA * jnp.squeeze(g_T)
    s_I = s_I.at[ids].set(s_I_vec)
    s_T = s_T.at[ids].set(s_T_vec)
    s_I_c = jnp.maximum(s_I_vec.reshape(g_I.shape), EPS)
    s_T_c = jnp.maximum(s_T_vec.reshape(g_T.shape), EPS)
    weights_image = exp_image_diffs / s_I_c
    weights_text = exp_text_diffs / s_T_c
    image_loss = jnp.sum(weights_image * image_diffs, axis=1, keepdims=True)
    text_loss = jnp.sum(weights_text * text_diffs, axis=0, keepdims=True)
    total_loss = ALPHA * jnp.mean(image_loss) + (1.0 - ALPHA) * jnp.mean(text_loss)
    grad_tau_image = jnp.log(s_I_c) + b_I_vec[:, None] + RHO - jnp.sum(weights_image * image_diffs_d_temps, axis=1, keepdims=True) / (B - 1)
    grad_tau_text = jnp.log(s_T_c) + b_T_vec[None, :] + RHO - jnp.sum(weights_text * text_diffs_d_temps, axis=0, keepdims=True) / (B - 1)
    u_I_vec = (1.0 - BETA_U) * u_I[ids] + BETA_U * jnp.clip(jnp.squeeze(grad_tau_image), -GRAD_CLIP, GRAD_CLIP)
    u_T_vec = (1.0 - BETA_U) * u_T[ids] + BETA_U * jnp.clip(jnp.squeeze(grad_tau_text), -GRAD_CLIP, GRAD_CLIP)
    u_I = u_I.at[ids].set(u_I_vec)
    u_T = u_T.at[ids].set(u_T_vec)
    tau_I = tau_I.at[ids].set(jnp.clip(tau_image - ETA * u_I_vec, TAU_MIN, TAU_MAX))
    tau_T = tau_T.at[ids].set(jnp.clip(tau_text - ETA * u_T_vec, TAU_MIN, TAU_MAX))
    avg_image_tau = jnp.mean(tau_image)
    avg_text_tau = jnp.mean(tau_text)
    return (total_loss, avg_image_tau, avg_text_tau, s_I, s_T, b_I, b_T, tau_I, tau_T, u_I, u_T)

if __name__ == "__main__":
    import jax
    _d = setup_inputs()
    print(jax.jit(kernel)(*tuple(_d.values())))

</pallas_src>

<mosaic_0001>
#map = affine_map<(d0, d1) -> (0)>
#map1 = affine_map<(d0, d1) -> (0, 0)>
module attributes {stable_mosaic.version = 14 : i64} {
  func.func @_scatter_body(%arg0: i32, %arg1: i32, %arg2: memref<9000000xf32, #tpu.memory_space<hbm>>, %arg3: memref<9000000xf32, #tpu.memory_space<hbm>>, %arg4: memref<9000000xf32, #tpu.memory_space<hbm>>, %arg5: memref<9000000xf32, #tpu.memory_space<hbm>>, %arg6: memref<9000000xf32, #tpu.memory_space<hbm>>, %arg7: memref<9000000xf32, #tpu.memory_space<hbm>>, %arg8: memref<9000000xf32, #tpu.memory_space<hbm>>, %arg9: memref<9000000xf32, #tpu.memory_space<hbm>>, %arg10: memref<1024xi32, #tpu.memory_space<hbm>>, %arg11: memref<8x1024xf32, #tpu.memory_space<hbm>>, %arg12: memref<9000000xf32, #tpu.memory_space<hbm>>, %arg13: memref<9000000xf32, #tpu.memory_space<hbm>>, %arg14: memref<9000000xf32, #tpu.memory_space<hbm>>, %arg15: memref<9000000xf32, #tpu.memory_space<hbm>>, %arg16: memref<9000000xf32, #tpu.memory_space<hbm>>, %arg17: memref<9000000xf32, #tpu.memory_space<hbm>>, %arg18: memref<9000000xf32, #tpu.memory_space<hbm>>, %arg19: memref<9000000xf32, #tpu.memory_space<hbm>>, %arg20: memref<32xi32, #tpu.memory_space<vmem>>, %arg21: memref<8x32xf32, #tpu.memory_space<vmem>>, %arg22: memref<!tpu.dma_semaphore, #tpu.memory_space<semaphore_mem>>) attributes {dimension_semantics = [#tpu.dimension_semantics<core_parallel>, #tpu.dimension_semantics<subcore_parallel>], iteration_bounds = array<i64: 2, 16>, scalar_prefetch = 0 : i64, scratch_operands = 3 : i64, tpu.core_type = #tpu.core_type<sc_vector_subcore>, window_params = [{transform_indices = #map}, {transform_indices = #map}, {transform_indices = #map}, {transform_indices = #map}, {transform_indices = #map}, {transform_indices = #map}, {transform_indices = #map}, {transform_indices = #map}, {transform_indices = #map}, {transform_indices = #map1}, {transform_indices = #map}, {transform_indices = #map}, {transform_indices = #map}, {transform_indices = #map}, {transform_indices = #map}, {transform_indices = #map}, {transform_indices = #map}, {transform_indices = #map}]} {
    %mul3A = arith.constant 2 : i32
    %mul3A_0 = arith.muli %arg1, %mul3A : i32
    %add3A = arith.addi %mul3A_0, %arg0 : i32
    %mul3A_1 = arith.constant 32 : i32
    %mul3A_2 = arith.muli %add3A, %mul3A_1 : i32
    %dma_start3A = tpu.memref_slice %arg10[%mul3A_2] : memref<1024xi32, #tpu.memory_space<hbm>> -> memref<32xi32, #tpu.memory_space<hbm>>
    %dma_start3A_3 = tpu.memref_slice %arg10[%mul3A_2] : memref<1024xi32, #tpu.memory_space<hbm>> -> memref<32xi32, #tpu.memory_space<hbm>>
    tpu.enqueue_dma source(%dma_start3A_3 : memref<32xi32, #tpu.memory_space<hbm>>) target(%arg20 : memref<32xi32, #tpu.memory_space<vmem>>) target_semaphore(%arg22 : memref<!tpu.dma_semaphore, #tpu.memory_space<semaphore_mem>>)
    %dma_start3A_4 = arith.constant 0 : i32
    %dma_start3A_5 = arith.constant 0 : i32
    %dma_start3A_6 = arith.constant 0 : i32
    %dma_start3A_7 = tpu.memref_slice %arg21[%dma_start3A_5, %dma_start3A_6] : memref<8x32xf32, #tpu.memory_space<vmem>> -> memref<1x32xf32, #tpu.memory_space<vmem>>
    %dma_start3A_8 = tpu.memref_squeeze %dma_start3A_7 : memref<1x32xf32, #tpu.memory_space<vmem>> -> memref<32xf32, #tpu.memory_space<vmem>>
    %dma_start3A_9 = tpu.memref_slice %arg11[%dma_start3A_4, %mul3A_2] : memref<8x1024xf32, #tpu.memory_space<hbm>> -> memref<1x32xf32, #tpu.memory_space<hbm>>
    %dma_start3A_10 = tpu.memref_squeeze %dma_start3A_9 : memref<1x32xf32, #tpu.memory_space<hbm>> -> memref<32xf32, #tpu.memory_space<hbm>>
    %dma_start3A_11 = arith.constant 0 : i32
    %dma_start3A_12 = tpu.memref_slice %arg21[%dma_start3A_5, %dma_start3A_11] : memref<8x32xf32, #tpu.memory_space<vmem>> -> memref<1x32xf32, #tpu.memory_space<vmem>>
    %dma_start3A_13 = tpu.memref_squeeze %dma_start3A_12 : memref<1x32xf32, #tpu.memory_space<vmem>> -> memref<32xf32, #tpu.memory_space<vmem>>
    %dma_start3A_14 = tpu.memref_slice %arg11[%dma_start3A_4, %mul3A_2] : memref<8x1024xf32, #tpu.memory_space<hbm>> -> memref<1x32xf32, #tpu.memory_space<hbm>>
    %dma_start3A_15 = tpu.memref_squeeze %dma_start3A_14 : memref<1x32xf32, #tpu.memory_space<hbm>> -> memref<32xf32, #tpu.memory_space<hbm>>
    tpu.enqueue_dma source(%dma_start3A_15 : memref<32xf32, #tpu.memory_space<hbm>>) target(%dma_start3A_13 : memref<32xf32, #tpu.memory_space<vmem>>) target_semaphore(%arg22 : memref<!tpu.dma_semaphore, #tpu.memory_space<semaphore_mem>>)
    %dma_start3A_16 = arith.constant 1 : i32
    %dma_start3A_17 = arith.constant 1 : i32
    %dma_start3A_18 = arith.constant 0 : i32
    %dma_start3A_19 = tpu.memref_slice %arg21[%dma_start3A_17, %dma_start3A_18] : memref<8x32xf32, #tpu.memory_space<vmem>> -> memref<1x32xf32, #tpu.memory_space<vmem>>
    %dma_start3A_20 = tpu.memref_squeeze %dma_start3A_19 : memref<1x32xf32, #tpu.memory_space<vmem>> -> memref<32xf32, #tpu.memory_space<vmem>>
    %dma_start3A_21 = tpu.memref_slice %arg11[%dma_start3A_16, %mul3A_2] : memref<8x1024xf32, #tpu.memory_space<hbm>> -> memref<1x32xf32, #tpu.memory_space<hbm>>
    %dma_start3A_22 = tpu.memref_squeeze %dma_start3A_21 : memref<1x32xf32, #tpu.memory_space<hbm>> -> memref<32xf32, #tpu.memory_space<hbm>>
    %dma_start3A_23 = arith.constant 0 : i32
    %dma_start3A_24 = tpu.memref_slice %arg21[%dma_start3A_17, %dma_start3A_23] : memref<8x32xf32, #tpu.memory_space<vmem>> -> memref<1x32xf32, #tpu.memory_space<vmem>>
    %dma_start3A_25 = tpu.memref_squeeze %dma_start3A_24 : memref<1x32xf32, #tpu.memory_space<vmem>> -> memref<32xf32, #tpu.memory_space<vmem>>
    %dma_start3A_26 = tpu.memref_slice %arg11[%dma_start3A_16, %mul3A_2] : memref<8x1024xf32, #tpu.memory_space<hbm>> -> memref<1x32xf32, #tpu.memory_space<hbm>>
    %dma_start3A_27 = tpu.memref_squeeze %dma_start3A_26 : memref<1x32xf32, #tpu.memory_space<hbm>> -> memref<32xf32, #tpu.memory_space<hbm>>
    tpu.enqueue_dma source(%dma_start3A_27 : memref<32xf32, #tpu.memory_space<hbm>>) target(%dma_start3A_25 : memref<32xf32, #tpu.memory_space<vmem>>) target_semaphore(%arg22 : memref<!tpu.dma_semaphore, #tpu.memory_space<semaphore_mem>>)
    %dma_start3A_28 = arith.constant 2 : i32
    %dma_start3A_29 = arith.constant 2 : i32
    %dma_start3A_30 = arith.constant 0 : i32
    %dma_start3A_31 = tpu.memref_slice %arg21[%dma_start3A_29, %dma_start3A_30] : memref<8x32xf32, #tpu.memory_space<vmem>> -> memref<1x32xf32, #tpu.memory_space<vmem>>
    %dma_start3A_32 = tpu.memref_squeeze %dma_start3A_31 : memref<1x32xf32, #tpu.memory_space<vmem>> -> memref<32xf32, #tpu.memory_space<vmem>>
    %dma_start3A_33 = tpu.memref_slice %arg11[%dma_start3A_28, %mul3A_2] : memref<8x1024xf32, #tpu.memory_space<hbm>> -> memref<1x32xf32, #tpu.memory_space<hbm>>
    %dma_start3A_34 = tpu.memref_squeeze %dma_start3A_33 : memref<1x32xf32, #tpu.memory_space<hbm>> -> memref<32xf32, #tpu.memory_space<hbm>>
    %dma_start3A_35 = arith.constant 0 : i32
    %dma_start3A_36 = tpu.memref_slice %arg21[%dma_start3A_29, %dma_start3A_35] : memref<8x32xf32, #tpu.memory_space<vmem>> -> memref<1x32xf32, #tpu.memory_space<vmem>>
    %dma_start3A_37 = tpu.memref_squeeze %dma_start3A_36 : memref<1x32xf32, #tpu.memory_space<vmem>> -> memref<32xf32, #tpu.memory_space<vmem>>
    %dma_start3A_38 = tpu.memref_slice %arg11[%dma_start3A_28, %mul3A_2] : memref<8x1024xf32, #tpu.memory_space<hbm>> -> memref<1x32xf32, #tpu.memory_space<hbm>>
    %dma_start3A_39 = tpu.memref_squeeze %dma_start3A_38 : memref<1x32xf32, #tpu.memory_space<hbm>> -> memref<32xf32, #tpu.memory_space<hbm>>
    tpu.enqueue_dma source(%dma_start3A_39 : memref<32xf32, #tpu.memory_space<hbm>>) target(%dma_start3A_37 : memref<32xf32, #tpu.memory_space<vmem>>) target_semaphore(%arg22 : memref<!tpu.dma_semaphore, #tpu.memory_space<semaphore_mem>>)
    %dma_start3A_40 = arith.constant 3 : i32
    %dma_start3A_41 = arith.constant 3 : i32
    %dma_start3A_42 = arith.constant 0 : i32
    %dma_start3A_43 = tpu.memref_slice %arg21[%dma_start3A_41, %dma_start3A_42] : memref<8x32xf32, #tpu.memory_space<vmem>> -> memref<1x32xf32, #tpu.memory_space<vmem>>
    %dma_start3A_44 = tpu.memref_squeeze %dma_start3A_43 : memref<1x32xf32, #tpu.memory_space<vmem>> -> memref<32xf32, #tpu.memory_space<vmem>>
    %dma_start3A_45 = tpu.memref_slice %arg11[%dma_start3A_40, %mul3A_2] : memref<8x1024xf32, #tpu.memory_space<hbm>> -> memref<1x32xf32, #tpu.memory_space<hbm>>
    %dma_start3A_46 = tpu.memref_squeeze %dma_start3A_45 : memref<1x32xf32, #tpu.memory_space<hbm>> -> memref<32xf32, #tpu.memory_space<hbm>>
    %dma_start3A_47 = arith.constant 0 : i32
    %dma_start3A_48 = tpu.memref_slice %arg21[%dma_start3A_41, %dma_start3A_47] : memref<8x32xf32, #tpu.memory_space<vmem>> -> memref<1x32xf32, #tpu.memory_space<vmem>>
    %dma_start3A_49 = tpu.memref_squeeze %dma_start3A_48 : memref<1x32xf32, #tpu.memory_space<vmem>> -> memref<32xf32, #tpu.memory_space<vmem>>
    %dma_start3A_50 = tpu.memref_slice %arg11[%dma_start3A_40, %mul3A_2] : memref<8x1024xf32, #tpu.memory_space<hbm>> -> memref<1x32xf32, #tpu.memory_space<hbm>>
    %dma_start3A_51 = tpu.memref_squeeze %dma_start3A_50 : memref<1x32xf32, #tpu.memory_space<hbm>> -> memref<32xf32, #tpu.memory_space<hbm>>
    tpu.enqueue_dma source(%dma_start3A_51 : memref<32xf32, #tpu.memory_space<hbm>>) target(%dma_start3A_49 : memref<32xf32, #tpu.memory_space<vmem>>) target_semaphore(%arg22 : memref<!tpu.dma_semaphore, #tpu.memory_space<semaphore_mem>>)
    %dma_start3A_52 = arith.constant 4 : i32
    %dma_start3A_53 = arith.constant 4 : i32
    %dma_start3A_54 = arith.constant 0 : i32
    %dma_start3A_55 = tpu.memref_slice %arg21[%dma_start3A_53, %dma_start3A_54] : memref<8x32xf32, #tpu.memory_space<vmem>> -> memref<1x32xf32, #tpu.memory_space<vmem>>
    %dma_start3A_56 = tpu.memref_squeeze %dma_start3A_55 : memref<1x32xf32, #tpu.memory_space<vmem>> -> memref<32xf32, #tpu.memory_space<vmem>>
    %dma_start3A_57 = tpu.memref_slice %arg11[%dma_start3A_52, %mul3A_2] : memref<8x1024xf32, #tpu.memory_space<hbm>> -> memref<1x32xf32, #tpu.memory_space<hbm>>
    %dma_start3A_58 = tpu.memref_squeeze %dma_start3A_57 : memref<1x32xf32, #tpu.memory_space<hbm>> -> memref<32xf32, #tpu.memory_space<hbm>>
    %dma_start3A_59 = arith.constant 0 : i32
    %dma_start3A_60 = tpu.memref_slice %arg21[%dma_start3A_53, %dma_start3A_59] : memref<8x32xf32, #tpu.memory_space<vmem>> -> memref<1x32xf32, #tpu.memory_space<vmem>>
    %dma_start3A_61 = tpu.memref_squeeze %dma_start3A_60 : memref<1x32xf32, #tpu.memory_space<vmem>> -> memref<32xf32, #tpu.memory_space<vmem>>
    %dma_start3A_62 = tpu.memref_slice %arg11[%dma_start3A_52, %mul3A_2] : memref<8x1024xf32, #tpu.memory_space<hbm>> -> memref<1x32xf32, #tpu.memory_space<hbm>>
    %dma_start3A_63 = tpu.memref_squeeze %dma_start3A_62 : memref<1x32xf32, #tpu.memory_space<hbm>> -> memref<32xf32, #tpu.memory_space<hbm>>
    tpu.enqueue_dma source(%dma_start3A_63 : memref<32xf32, #tpu.memory_space<hbm>>) target(%dma_start3A_61 : memref<32xf32, #tpu.memory_space<vmem>>) target_semaphore(%arg22 : memref<!tpu.dma_semaphore, #tpu.memory_space<semaphore_mem>>)
    %dma_start3A_64 = arith.constant 5 : i32
    %dma_start3A_65 = arith.constant 5 : i32
    %dma_start3A_66 = arith.constant 0 : i32
    %dma_start3A_67 = tpu.memref_slice %arg21[%dma_start3A_65, %dma_start3A_66] : memref<8x32xf32, #tpu.memory_space<vmem>> -> memref<1x32xf32, #tpu.memory_space<vmem>>
    %dma_start3A_68 = tpu.memref_squeeze %dma_start3A_67 : memref<1x32xf32, #tpu.memory_space<vmem>> -> memref<32xf32, #tpu.memory_space<vmem>>
    %dma_start3A_69 = tpu.memref_slice %arg11[%dma_start3A_64, %mul3A_2] : memref<8x1024xf32, #tpu.memory_space<hbm>> -> memref<1x32xf32, #tpu.memory_space<hbm>>
    %dma_start3A_70 = tpu.memref_squeeze %dma_start3A_69 : memref<1x32xf32, #tpu.memory_space<hbm>> -> memref<32xf32, #tpu.memory_space<hbm>>
    %dma_start3A_71 = arith.constant 0 : i32
    %dma_start3A_72 = tpu.memref_slice %arg21[%dma_start3A_65, %dma_start3A_71] : memref<8x32xf32, #tpu.memory_space<vmem>> -> memref<1x32xf32, #tpu.memory_space<vmem>>
    %dma_start3A_73 = tpu.memref_squeeze %dma_start3A_72 : memref<1x32xf32, #tpu.memory_space<vmem>> -> memref<32xf32, #tpu.memory_space<vmem>>
    %dma_start3A_74 = tpu.memref_slice %arg11[%dma_start3A_64, %mul3A_2] : memref<8x1024xf32, #tpu.memory_space<hbm>> -> memref<1x32xf32, #tpu.memory_space<hbm>>
    %dma_start3A_75 = tpu.memref_squeeze %dma_start3A_74 : memref<1x32xf32, #tpu.memory_space<hbm>> -> memref<32xf32, #tpu.memory_space<hbm>>
    tpu.enqueue_dma source(%dma_start3A_75 : memref<32xf32, #tpu.memory_space<hbm>>) target(%dma_start3A_73 : memref<32xf32, #tpu.memory_space<vmem>>) target_semaphore(%arg22 : memref<!tpu.dma_semaphore, #tpu.memory_space<semaphore_mem>>)
    %dma_start3A_76 = arith.constant 6 : i32
    %dma_start3A_77 = arith.constant 6 : i32
    %dma_start3A_78 = arith.constant 0 : i32
    %dma_start3A_79 = tpu.memref_slice %arg21[%dma_start3A_77, %dma_start3A_78] : memref<8x32xf32, #tpu.memory_space<vmem>> -> memref<1x32xf32, #tpu.memory_space<vmem>>
    %dma_start3A_80 = tpu.memref_squeeze %dma_start3A_79 : memref<1x32xf32, #tpu.memory_space<vmem>> -> memref<32xf32, #tpu.memory_space<vmem>>
    %dma_start3A_81 = tpu.memref_slice %arg11[%dma_start3A_76, %mul3A_2] : memref<8x1024xf32, #tpu.memory_space<hbm>> -> memref<1x32xf32, #tpu.memory_space<hbm>>
    %dma_start3A_82 = tpu.memref_squeeze %dma_start3A_81 : memref<1x32xf32, #tpu.memory_space<hbm>> -> memref<32xf32, #tpu.memory_space<hbm>>
    %dma_start3A_83 = arith.constant 0 : i32
    %dma_start3A_84 = tpu.memref_slice %arg21[%dma_start3A_77, %dma_start3A_83] : memref<8x32xf32, #tpu.memory_space<vmem>> -> memref<1x32xf32, #tpu.memory_space<vmem>>
    %dma_start3A_85 = tpu.memref_squeeze %dma_start3A_84 : memref<1x32xf32, #tpu.memory_space<vmem>> -> memref<32xf32, #tpu.memory_space<vmem>>
    %dma_start3A_86 = tpu.memref_slice %arg11[%dma_start3A_76, %mul3A_2] : memref<8x1024xf32, #tpu.memory_space<hbm>> -> memref<1x32xf32, #tpu.memory_space<hbm>>
    %dma_start3A_87 = tpu.memref_squeeze %dma_start3A_86 : memref<1x32xf32, #tpu.memory_space<hbm>> -> memref<32xf32, #tpu.memory_space<hbm>>
    tpu.enqueue_dma source(%dma_start3A_87 : memref<32xf32, #tpu.memory_space<hbm>>) target(%dma_start3A_85 : memref<32xf32, #tpu.memory_space<vmem>>) target_semaphore(%arg22 : memref<!tpu.dma_semaphore, #tpu.memory_space<semaphore_mem>>)
    %dma_start3A_88 = arith.constant 7 : i32
    %dma_start3A_89 = arith.constant 7 : i32
    %dma_start3A_90 = arith.constant 0 : i32
    %dma_start3A_91 = tpu.memref_slice %arg21[%dma_start3A_89, %dma_start3A_90] : memref<8x32xf32, #tpu.memory_space<vmem>> -> memref<1x32xf32, #tpu.memory_space<vmem>>
    %dma_start3A_92 = tpu.memref_squeeze %dma_start3A_91 : memref<1x32xf32, #tpu.memory_space<vmem>> -> memref<32xf32, #tpu.memory_space<vmem>>
    %dma_start3A_93 = tpu.memref_slice %arg11[%dma_start3A_88, %mul3A_2] : memref<8x1024xf32, #tpu.memory_space<hbm>> -> memref<1x32xf32, #tpu.memory_space<hbm>>
    %dma_start3A_94 = tpu.memref_squeeze %dma_start3A_93 : memref<1x32xf32, #tpu.memory_space<hbm>> -> memref<32xf32, #tpu.memory_space<hbm>>
    %dma_start3A_95 = arith.constant 0 : i32
    %dma_start3A_96 = tpu.memref_slice %arg21[%dma_start3A_89, %dma_start3A_95] : memref<8x32xf32, #tpu.memory_space<vmem>> -> memref<1x32xf32, #tpu.memory_space<vmem>>
    %dma_start3A_97 = tpu.memref_squeeze %dma_start3A_96 : memref<1x32xf32, #tpu.memory_space<vmem>> -> memref<32xf32, #tpu.memory_space<vmem>>
    %dma_start3A_98 = tpu.memref_slice %arg11[%dma_start3A_88, %mul3A_2] : memref<8x1024xf32, #tpu.memory_space<hbm>> -> memref<1x32xf32, #tpu.memory_space<hbm>>
    %dma_start3A_99 = tpu.memref_squeeze %dma_start3A_98 : memref<1x32xf32, #tpu.memory_space<hbm>> -> memref<32xf32, #tpu.memory_space<hbm>>
    tpu.enqueue_dma source(%dma_start3A_99 : memref<32xf32, #tpu.memory_space<hbm>>) target(%dma_start3A_97 : memref<32xf32, #tpu.memory_space<vmem>>) target_semaphore(%arg22 : memref<!tpu.dma_semaphore, #tpu.memory_space<semaphore_mem>>)
    %dma_wait3A = tpu.memref_slice %arg10[%mul3A_2] : memref<1024xi32, #tpu.memory_space<hbm>> -> memref<32xi32, #tpu.memory_space<hbm>>
    %dma_wait3A_100 = tpu.memref_slice %arg10[%mul3A_2] : memref<1024xi32, #tpu.memory_space<hbm>> -> memref<32xi32, #tpu.memory_space<hbm>>
    tpu.wait_dma2 semaphore(%arg22 : memref<!tpu.dma_semaphore, #tpu.memory_space<semaphore_mem>>) src(%dma_wait3A_100 : memref<32xi32, #tpu.memory_space<hbm>>) dst(%arg20 : memref<32xi32, #tpu.memory_space<vmem>>)
    %dma_wait3A_101 = arith.constant 0 : i32
    %dma_wait3A_102 = arith.constant 0 : i32
    %dma_wait3A_103 = arith.constant 0 : i32
    %dma_wait3A_104 = tpu.memref_slice %arg21[%dma_wait3A_102, %dma_wait3A_103] : memref<8x32xf32, #tpu.memory_space<vmem>> -> memref<1x32xf32, #tpu.memory_space<vmem>>
    %dma_wait3A_105 = tpu.memref_squeeze %dma_wait3A_104 : memref<1x32xf32, #tpu.memory_space<vmem>> -> memref<32xf32, #tpu.memory_space<vmem>>
    %dma_wait3A_106 = tpu.memref_slice %arg11[%dma_wait3A_101, %mul3A_2] : memref<8x1024xf32, #tpu.memory_space<hbm>> -> memref<1x32xf32, #tpu.memory_space<hbm>>
    %dma_wait3A_107 = tpu.memref_squeeze %dma_wait3A_106 : memref<1x32xf32, #tpu.memory_space<hbm>> -> memref<32xf32, #tpu.memory_space<hbm>>
    %dma_wait3A_108 = arith.constant 0 : i32
    %dma_wait3A_109 = tpu.memref_slice %arg21[%dma_wait3A_102, %dma_wait3A_108] : memref<8x32xf32, #tpu.memory_space<vmem>> -> memref<1x32xf32, #tpu.memory_space<vmem>>
    %dma_wait3A_110 = tpu.memref_squeeze %dma_wait3A_109 : memref<1x32xf32, #tpu.memory_space<vmem>> -> memref<32xf32, #tpu.memory_space<vmem>>
    %dma_wait3A_111 = tpu.memref_slice %arg11[%dma_wait3A_101, %mul3A_2] : memref<8x1024xf32, #tpu.memory_space<hbm>> -> memref<1x32xf32, #tpu.memory_space<hbm>>
    %dma_wait3A_112 = tpu.memref_squeeze %dma_wait3A_111 : memref<1x32xf32, #tpu.memory_space<hbm>> -> memref<32xf32, #tpu.memory_space<hbm>>
    tpu.wait_dma2 semaphore(%arg22 : memref<!tpu.dma_semaphore, #tpu.memory_space<semaphore_mem>>) src(%dma_wait3A_112 : memref<32xf32, #tpu.memory_space<hbm>>) dst(%dma_wait3A_110 : memref<32xf32, #tpu.memory_space<vmem>>)
    %dma_wait3A_113 = arith.constant 1 : i32
    %dma_wait3A_114 = arith.constant 1 : i32
    %dma_wait3A_115 = arith.constant 0 : i32
    %dma_wait3A_116 = tpu.memref_slice %arg21[%dma_wait3A_114, %dma_wait3A_115] : memref<8x32xf32, #tpu.memory_space<vmem>> -> memref<1x32xf32, #tpu.memory_space<vmem>>
    %dma_wait3A_117 = tpu.memref_squeeze %dma_wait3A_116 : memref<1x32xf32, #tpu.memory_space<vmem>> -> memref<32xf32, #tpu.memory_space<vmem>>
    %dma_wait3A_118 = tpu.memref_slice %arg11[%dma_wait3A_113, %mul3A_2] : memref<8x1024xf32, #tpu.memory_space<hbm>> -> memref<1x32xf32, #tpu.memory_space<hbm>>
    %dma_wait3A_119 = tpu.memref_squeeze %dma_wait3A_118 : memref<1x32xf32, #tpu.memory_space<hbm>> -> memref<32xf32, #tpu.memory_space<hbm>>
    %dma_wait3A_120 = arith.constant 0 : i32
    %dma_wait3A_121 = tpu.memref_slice %arg21[%dma_wait3A_114, %dma_wait3A_120] : memref<8x32xf32, #tpu.memory_space<vmem>> -> memref<1x32xf32, #tpu.memory_space<vmem>>
    %dma_wait3A_122 = tpu.memref_squeeze %dma_wait3A_121 : memref<1x32xf32, #tpu.memory_space<vmem>> -> memref<32xf32, #tpu.memory_space<vmem>>
    %dma_wait3A_123 = tpu.memref_slice %arg11[%dma_wait3A_113, %mul3A_2] : memref<8x1024xf32, #tpu.memory_space<hbm>> -> memref<1x32xf32, #tpu.memory_space<hbm>>
    %dma_wait3A_124 = tpu.memref_squeeze %dma_wait3A_123 : memref<1x32xf32, #tpu.memory_space<hbm>> -> memref<32xf32, #tpu.memory_space<hbm>>
    tpu.wait_dma2 semaphore(%arg22 : memref<!tpu.dma_semaphore, #tpu.memory_space<semaphore_mem>>) src(%dma_wait3A_124 : memref<32xf32, #tpu.memory_space<hbm>>) dst(%dma_wait3A_122 : memref<32xf32, #tpu.memory_space<vmem>>)
    %dma_wait3A_125 = arith.constant 2 : i32
    %dma_wait3A_126 = arith.constant 2 : i32
    %dma_wait3A_127 = arith.constant 0 : i32
    %dma_wait3A_128 = tpu.memref_slice %arg21[%dma_wait3A_126, %dma_wait3A_127] : memref<8x32xf32, #tpu.memory_space<vmem>> -> memref<1x32xf32, #tpu.memory_space<vmem>>
    %dma_wait3A_129 = tpu.memref_squeeze %dma_wait3A_128 : memref<1x32xf32, #tpu.memory_space<vmem>> -> memref<32xf32, #tpu.memory_space<vmem>>
    %dma_wait3A_130 = tpu.memref_slice %arg11[%dma_wait3A_125, %mul3A_2] : memref<8x1024xf32, #tpu.memory_space<hbm>> -> memref<1x32xf32, #tpu.memory_space<hbm>>
    %dma_wait3A_131 = tpu.memref_squeeze %dma_wait3A_130 : memref<1x32xf32, #tpu.memory_space<hbm>> -> memref<32xf32, #tpu.memory_space<hbm>>
    %dma_wait3A_132 = arith.constant 0 : i32
    %dma_wait3A_133 = tpu.memref_slice %arg21[%dma_wait3A_126, %dma_wait3A_132] : memref<8x32xf32, #tpu.memory_space<vmem>> -> memref<1x32xf32, #tpu.memory_space<vmem>>
    %dma_wait3A_134 = tpu.memref_squeeze %dma_wait3A_133 : memref<1x32xf32, #tpu.memory_space<vmem>> -> memref<32xf32, #tpu.memory_space<vmem>>
    %dma_wait3A_135 = tpu.memref_slice %arg11[%dma_wait3A_125, %mul3A_2] : memref<8x1024xf32, #tpu.memory_space<hbm>> -> memref<1x32xf32, #tpu.memory_space<hbm>>
    %dma_wait3A_136 = tpu.memref_squeeze %dma_wait3A_135 : memref<1x32xf32, #tpu.memory_space<hbm>> -> memref<32xf32, #tpu.memory_space<hbm>>
    tpu.wait_dma2 semaphore(%arg22 : memref<!tpu.dma_semaphore, #tpu.memory_space<semaphore_mem>>) src(%dma_wait3A_136 : memref<32xf32, #tpu.memory_space<hbm>>) dst(%dma_wait3A_134 : memref<32xf32, #tpu.memory_space<vmem>>)
    %dma_wait3A_137 = arith.constant 3 : i32
    %dma_wait3A_138 = arith.constant 3 : i32
    %dma_wait3A_139 = arith.constant 0 : i32
    %dma_wait3A_140 = tpu.memref_slice %arg21[%dma_wait3A_138, %dma_wait3A_139] : memref<8x32xf32, #tpu.memory_space<vmem>> -> memref<1x32xf32, #tpu.memory_space<vmem>>
    %dma_wait3A_141 = tpu.memref_squeeze %dma_wait3A_140 : memref<1x32xf32, #tpu.memory_space<vmem>> -> memref<32xf32, #tpu.memory_space<vmem>>
    %dma_wait3A_142 = tpu.memref_slice %arg11[%dma_wait3A_137, %mul3A_2] : memref<8x1024xf32, #tpu.memory_space<hbm>> -> memref<1x32xf32, #tpu.memory_space<hbm>>
    %dma_wait3A_143 = tpu.memref_squeeze %dma_wait3A_142 : memref<1x32xf32, #tpu.memory_space<hbm>> -> memref<32xf32, #tpu.memory_space<hbm>>
    %dma_wait3A_144 = arith.constant 0 : i32
    %dma_wait3A_145 = tpu.memref_slice %arg21[%dma_wait3A_138, %dma_wait3A_144] : memref<8x32xf32, #tpu.memory_space<vmem>> -> memref<1x32xf32, #tpu.memory_space<vmem>>
    %dma_wait3A_146 = tpu.memref_squeeze %dma_wait3A_145 : memref<1x32xf32, #tpu.memory_space<vmem>> -> memref<32xf32, #tpu.memory_space<vmem>>
    %dma_wait3A_147 = tpu.memref_slice %arg11[%dma_wait3A_137, %mul3A_2] : memref<8x1024xf32, #tpu.memory_space<hbm>> -> memref<1x32xf32, #tpu.memory_space<hbm>>
    %dma_wait3A_148 = tpu.memref_squeeze %dma_wait3A_147 : memref<1x32xf32, #tpu.memory_space<hbm>> -> memref<32xf32, #tpu.memory_space<hbm>>
    tpu.wait_dma2 semaphore(%arg22 : memref<!tpu.dma_semaphore, #tpu.memory_space<semaphore_mem>>) src(%dma_wait3A_148 : memref<32xf32, #tpu.memory_space<hbm>>) dst(%dma_wait3A_146 : memref<32xf32, #tpu.memory_space<vmem>>)
    %dma_wait3A_149 = arith.constant 4 : i32
    %dma_wait3A_150 = arith.constant 4 : i32
    %dma_wait3A_151 = arith.constant 0 : i32
    %dma_wait3A_152 = tpu.memref_slice %arg21[%dma_wait3A_150, %dma_wait3A_151] : memref<8x32xf32, #tpu.memory_space<vmem>> -> memref<1x32xf32, #tpu.memory_space<vmem>>
    %dma_wait3A_153 = tpu.memref_squeeze %dma_wait3A_152 : memref<1x32xf32, #tpu.memory_space<vmem>> -> memref<32xf32, #tpu.memory_space<vmem>>
    %dma_wait3A_154 = tpu.memref_slice %arg11[%dma_wait3A_149, %mul3A_2] : memref<8x1024xf32, #tpu.memory_space<hbm>> -> memref<1x32xf32, #tpu.memory_space<hbm>>
    %dma_wait3A_155 = tpu.memref_squeeze %dma_wait3A_154 : memref<1x32xf32, #tpu.memory_space<hbm>> -> memref<32xf32, #tpu.memory_space<hbm>>
    %dma_wait3A_156 = arith.constant 0 : i32
    %dma_wait3A_157 = tpu.memref_slice %arg21[%dma_wait3A_150, %dma_wait3A_156] : memref<8x32xf32, #tpu.memory_space<vmem>> -> memref<1x32xf32, #tpu.memory_space<vmem>>
    %dma_wait3A_158 = tpu.memref_squeeze %dma_wait3A_157 : memref<1x32xf32, #tpu.memory_space<vmem>> -> memref<32xf32, #tpu.memory_space<vmem>>
    %dma_wait3A_159 = tpu.memref_slice %arg11[%dma_wait3A_149, %mul3A_2] : memref<8x1024xf32, #tpu.memory_space<hbm>> -> memref<1x32xf32, #tpu.memory_space<hbm>>
    %dma_wait3A_160 = tpu.memref_squeeze %dma_wait3A_159 : memref<1x32xf32, #tpu.memory_space<hbm>> -> memref<32xf32, #tpu.memory_space<hbm>>
    tpu.wait_dma2 semaphore(%arg22 : memref<!tpu.dma_semaphore, #tpu.memory_space<semaphore_mem>>) src(%dma_wait3A_160 : memref<32xf32, #tpu.memory_space<hbm>>) dst(%dma_wait3A_158 : memref<32xf32, #tpu.memory_space<vmem>>)
    %dma_wait3A_161 = arith.constant 5 : i32
    %dma_wait3A_162 = arith.constant 5 : i32
    %dma_wait3A_163 = arith.constant 0 : i32
    %dma_wait3A_164 = tpu.memref_slice %arg21[%dma_wait3A_162, %dma_wait3A_163] : memref<8x32xf32, #tpu.memory_space<vmem>> -> memref<1x32xf32, #tpu.memory_space<vmem>>
    %dma_wait3A_165 = tpu.memref_squeeze %dma_wait3A_164 : memref<1x32xf32, #tpu.memory_space<vmem>> -> memref<32xf32, #tpu.memory_space<vmem>>
    %dma_wait3A_166 = tpu.memref_slice %arg11[%dma_wait3A_161, %mul3A_2] : memref<8x1024xf32, #tpu.memory_space<hbm>> -> memref<1x32xf32, #tpu.memory_space<hbm>>
    %dma_wait3A_167 = tpu.memref_squeeze %dma_wait3A_166 : memref<1x32xf32, #tpu.memory_space<hbm>> -> memref<32xf32, #tpu.memory_space<hbm>>
    %dma_wait3A_168 = arith.constant 0 : i32
    %dma_wait3A_169 = tpu.memref_slice %arg21[%dma_wait3A_162, %dma_wait3A_168] : memref<8x32xf32, #tpu.memory_space<vmem>> -> memref<1x32xf32, #tpu.memory_space<vmem>>
    %dma_wait3A_170 = tpu.memref_squeeze %dma_wait3A_169 : memref<1x32xf32, #tpu.memory_space<vmem>> -> memref<32xf32, #tpu.memory_space<vmem>>
    %dma_wait3A_171 = tpu.memref_slice %arg11[%dma_wait3A_161, %mul3A_2] : memref<8x1024xf32, #tpu.memory_space<hbm>> -> memref<1x32xf32, #tpu.memory_space<hbm>>
    %dma_wait3A_172 = tpu.memref_squeeze %dma_wait3A_171 : memref<1x32xf32, #tpu.memory_space<hbm>> -> memref<32xf32, #tpu.memory_space<hbm>>
    tpu.wait_dma2 semaphore(%arg22 : memref<!tpu.dma_semaphore, #tpu.memory_space<semaphore_mem>>) src(%dma_wait3A_172 : memref<32xf32, #tpu.memory_space<hbm>>) dst(%dma_wait3A_170 : memref<32xf32, #tpu.memory_space<vmem>>)
    %dma_wait3A_173 = arith.constant 6 : i32
    %dma_wait3A_174 = arith.constant 6 : i32
    %dma_wait3A_175 = arith.constant 0 : i32
    %dma_wait3A_176 = tpu.memref_slice %arg21[%dma_wait3A_174, %dma_wait3A_175] : memref<8x32xf32, #tpu.memory_space<vmem>> -> memref<1x32xf32, #tpu.memory_space<vmem>>
    %dma_wait3A_177 = tpu.memref_squeeze %dma_wait3A_176 : memref<1x32xf32, #tpu.memory_space<vmem>> -> memref<32xf32, #tpu.memory_space<vmem>>
    %dma_wait3A_178 = tpu.memref_slice %arg11[%dma_wait3A_173, %mul3A_2] : memref<8x1024xf32, #tpu.memory_space<hbm>> -> memref<1x32xf32, #tpu.memory_space<hbm>>
    %dma_wait3A_179 = tpu.memref_squeeze %dma_wait3A_178 : memref<1x32xf32, #tpu.memory_space<hbm>> -> memref<32xf32, #tpu.memory_space<hbm>>
    %dma_wait3A_180 = arith.constant 0 : i32
    %dma_wait3A_181 = tpu.memref_slice %arg21[%dma_wait3A_174, %dma_wait3A_180] : memref<8x32xf32, #tpu.memory_space<vmem>> -> memref<1x32xf32, #tpu.memory_space<vmem>>
    %dma_wait3A_182 = tpu.memref_squeeze %dma_wait3A_181 : memref<1x32xf32, #tpu.memory_space<vmem>> -> memref<32xf32, #tpu.memory_space<vmem>>
    %dma_wait3A_183 = tpu.memref_slice %arg11[%dma_wait3A_173, %mul3A_2] : memref<8x1024xf32, #tpu.memory_space<hbm>> -> memref<1x32xf32, #tpu.memory_space<hbm>>
    %dma_wait3A_184 = tpu.memref_squeeze %dma_wait3A_183 : memref<1x32xf32, #tpu.memory_space<hbm>> -> memref<32xf32, #tpu.memory_space<hbm>>
    tpu.wait_dma2 semaphore(%arg22 : memref<!tpu.dma_semaphore, #tpu.memory_space<semaphore_mem>>) src(%dma_wait3A_184 : memref<32xf32, #tpu.memory_space<hbm>>) dst(%dma_wait3A_182 : memref<32xf32, #tpu.memory_space<vmem>>)
    %dma_wait3A_185 = arith.constant 7 : i32
    %dma_wait3A_186 = arith.constant 7 : i32
    %dma_wait3A_187 = arith.constant 0 : i32
    %dma_wait3A_188 = tpu.memref_slice %arg21[%dma_wait3A_186, %dma_wait3A_187] : memref<8x32xf32, #tpu.memory_space<vmem>> -> memref<1x32xf32, #tpu.memory_space<vmem>>
    %dma_wait3A_189 = tpu.memref_squeeze %dma_wait3A_188 : memref<1x32xf32, #tpu.memory_space<vmem>> -> memref<32xf32, #tpu.memory_space<vmem>>
    %dma_wait3A_190 = tpu.memref_slice %arg11[%dma_wait3A_185, %mul3A_2] : memref<8x1024xf32, #tpu.memory_space<hbm>> -> memref<1x32xf32, #tpu.memory_space<hbm>>
    %dma_wait3A_191 = tpu.memref_squeeze %dma_wait3A_190 : memref<1x32xf32, #tpu.memory_space<hbm>> -> memref<32xf32, #tpu.memory_space<hbm>>
    %dma_wait3A_192 = arith.constant 0 : i32
    %dma_wait3A_193 = tpu.memref_slice %arg21[%dma_wait3A_186, %dma_wait3A_192] : memref<8x32xf32, #tpu.memory_space<vmem>> -> memref<1x32xf32, #tpu.memory_space<vmem>>
    %dma_wait3A_194 = tpu.memref_squeeze %dma_wait3A_193 : memref<1x32xf32, #tpu.memory_space<vmem>> -> memref<32xf32, #tpu.memory_space<vmem>>
    %dma_wait3A_195 = tpu.memref_slice %arg11[%dma_wait3A_185, %mul3A_2] : memref<8x1024xf32, #tpu.memory_space<hbm>> -> memref<1x32xf32, #tpu.memory_space<hbm>>
    %dma_wait3A_196 = tpu.memref_squeeze %dma_wait3A_195 : memref<1x32xf32, #tpu.memory_space<hbm>> -> memref<32xf32, #tpu.memory_space<hbm>>
    tpu.wait_dma2 semaphore(%arg22 : memref<!tpu.dma_semaphore, #tpu.memory_space<semaphore_mem>>) src(%dma_wait3A_196 : memref<32xf32, #tpu.memory_space<hbm>>) dst(%dma_wait3A_194 : memref<32xf32, #tpu.memory_space<vmem>>)
    %dma_start3A_197 = arith.constant 0 : i32
    %dma_start3A_198 = arith.constant 0 : i32
    %dma_start3A_199 = tpu.memref_slice %arg21[%dma_start3A_197, %dma_start3A_198] : memref<8x32xf32, #tpu.memory_space<vmem>> -> memref<1x32xf32, #tpu.memory_space<vmem>>
    %dma_start3A_200 = tpu.memref_squeeze %dma_start3A_199 : memref<1x32xf32, #tpu.memory_space<vmem>> -> memref<32xf32, #tpu.memory_space<vmem>>
    %dma_start3A_201 = arith.constant 0 : i32
    %dma_start3A_202 = tpu.memref_slice %arg12[%dma_start3A_201] : memref<9000000xf32, #tpu.memory_space<hbm>> -> memref<9000000xf32, #tpu.memory_space<hbm>>
    tpu.enqueue_indirect_dma source(%dma_start3A_200 : memref<32xf32, #tpu.memory_space<vmem>>) target(%dma_start3A_202 : memref<9000000xf32, #tpu.memory_space<hbm>>) offsets(%arg20 : memref<32xi32, #tpu.memory_space<vmem>>) semaphore(%arg22 : memref<!tpu.dma_semaphore, #tpu.memory_space<semaphore_mem>>)
    %dma_start3A_203 = arith.constant 1 : i32
    %dma_start3A_204 = arith.constant 0 : i32
    %dma_start3A_205 = tpu.memref_slice %arg21[%dma_start3A_203, %dma_start3A_204] : memref<8x32xf32, #tpu.memory_space<vmem>> -> memref<1x32xf32, #tpu.memory_space<vmem>>
    %dma_start3A_206 = tpu.memref_squeeze %dma_start3A_205 : memref<1x32xf32, #tpu.memory_space<vmem>> -> memref<32xf32, #tpu.memory_space<vmem>>
    %dma_start3A_207 = arith.constant 0 : i32
    %dma_start3A_208 = tpu.memref_slice %arg13[%dma_start3A_207] : memref<9000000xf32, #tpu.memory_space<hbm>> -> memref<9000000xf32, #tpu.memory_space<hbm>>
    tpu.enqueue_indirect_dma source(%dma_start3A_206 : memref<32xf32, #tpu.memory_space<vmem>>) target(%dma_start3A_208 : memref<9000000xf32, #tpu.memory_space<hbm>>) offsets(%arg20 : memref<32xi32, #tpu.memory_space<vmem>>) semaphore(%arg22 : memref<!tpu.dma_semaphore, #tpu.memory_space<semaphore_mem>>)
    %dma_start3A_209 = arith.constant 2 : i32
    %dma_start3A_210 = arith.constant 0 : i32
    %dma_start3A_211 = tpu.memref_slice %arg21[%dma_start3A_209, %dma_start3A_210] : memref<8x32xf32, #tpu.memory_space<vmem>> -> memref<1x32xf32, #tpu.memory_space<vmem>>
    %dma_start3A_212 = tpu.memref_squeeze %dma_start3A_211 : memref<1x32xf32, #tpu.memory_space<vmem>> -> memref<32xf32, #tpu.memory_space<vmem>>
    %dma_start3A_213 = arith.constant 0 : i32
    %dma_start3A_214 = tpu.memref_slice %arg14[%dma_start3A_213] : memref<9000000xf32, #tpu.memory_space<hbm>> -> memref<9000000xf32, #tpu.memory_space<hbm>>
    tpu.enqueue_indirect_dma source(%dma_start3A_212 : memref<32xf32, #tpu.memory_space<vmem>>) target(%dma_start3A_214 : memref<9000000xf32, #tpu.memory_space<hbm>>) offsets(%arg20 : memref<32xi32, #tpu.memory_space<vmem>>) semaphore(%arg22 : memref<!tpu.dma_semaphore, #tpu.memory_space<semaphore_mem>>)
    %dma_start3A_215 = arith.constant 3 : i32
    %dma_start3A_216 = arith.constant 0 : i32
    %dma_start3A_217 = tpu.memref_slice %arg21[%dma_start3A_215, %dma_start3A_216] : memref<8x32xf32, #tpu.memory_space<vmem>> -> memref<1x32xf32, #tpu.memory_space<vmem>>
    %dma_start3A_218 = tpu.memref_squeeze %dma_start3A_217 : memref<1x32xf32, #tpu.memory_space<vmem>> -> memref<32xf32, #tpu.memory_space<vmem>>
    %dma_start3A_219 = arith.constant 0 : i32
    %dma_start3A_220 = tpu.memref_slice %arg15[%dma_start3A_219] : memref<9000000xf32, #tpu.memory_space<hbm>> -> memref<9000000xf32, #tpu.memory_space<hbm>>
    tpu.enqueue_indirect_dma source(%dma_start3A_218 : memref<32xf32, #tpu.memory_space<vmem>>) target(%dma_start3A_220 : memref<9000000xf32, #tpu.memory_space<hbm>>) offsets(%arg20 : memref<32xi32, #tpu.memory_space<vmem>>) semaphore(%arg22 : memref<!tpu.dma_semaphore, #tpu.memory_space<semaphore_mem>>)
    %dma_start3A_221 = arith.constant 4 : i32
    %dma_start3A_222 = arith.constant 0 : i32
    %dma_start3A_223 = tpu.memref_slice %arg21[%dma_start3A_221, %dma_start3A_222] : memref<8x32xf32, #tpu.memory_space<vmem>> -> memref<1x32xf32, #tpu.memory_space<vmem>>
    %dma_start3A_224 = tpu.memref_squeeze %dma_start3A_223 : memref<1x32xf32, #tpu.memory_space<vmem>> -> memref<32xf32, #tpu.memory_space<vmem>>
    %dma_start3A_225 = arith.constant 0 : i32
    %dma_start3A_226 = tpu.memref_slice %arg16[%dma_start3A_225] : memref<9000000xf32, #tpu.memory_space<hbm>> -> memref<9000000xf32, #tpu.memory_space<hbm>>
    tpu.enqueue_indirect_dma source(%dma_start3A_224 : memref<32xf32, #tpu.memory_space<vmem>>) target(%dma_start3A_226 : memref<9000000xf32, #tpu.memory_space<hbm>>) offsets(%arg20 : memref<32xi32, #tpu.memory_space<vmem>>) semaphore(%arg22 : memref<!tpu.dma_semaphore, #tpu.memory_space<semaphore_mem>>)
    %dma_start3A_227 = arith.constant 5 : i32
    %dma_start3A_228 = arith.constant 0 : i32
    %dma_start3A_229 = tpu.memref_slice %arg21[%dma_start3A_227, %dma_start3A_228] : memref<8x32xf32, #tpu.memory_space<vmem>> -> memref<1x32xf32, #tpu.memory_space<vmem>>
    %dma_start3A_230 = tpu.memref_squeeze %dma_start3A_229 : memref<1x32xf32, #tpu.memory_space<vmem>> -> memref<32xf32, #tpu.memory_space<vmem>>
    %dma_start3A_231 = arith.constant 0 : i32
    %dma_start3A_232 = tpu.memref_slice %arg17[%dma_start3A_231] : memref<9000000xf32, #tpu.memory_space<hbm>> -> memref<9000000xf32, #tpu.memory_space<hbm>>
    tpu.enqueue_indirect_dma source(%dma_start3A_230 : memref<32xf32, #tpu.memory_space<vmem>>) target(%dma_start3A_232 : memref<9000000xf32, #tpu.memory_space<hbm>>) offsets(%arg20 : memref<32xi32, #tpu.memory_space<vmem>>) semaphore(%arg22 : memref<!tpu.dma_semaphore, #tpu.memory_space<semaphore_mem>>)
    %dma_start3A_233 = arith.constant 6 : i32
    %dma_start3A_234 = arith.constant 0 : i32
    %dma_start3A_235 = tpu.memref_slice %arg21[%dma_start3A_233, %dma_start3A_234] : memref<8x32xf32, #tpu.memory_space<vmem>> -> memref<1x32xf32, #tpu.memory_space<vmem>>
    %dma_start3A_236 = tpu.memref_squeeze %dma_start3A_235 : memref<1x32xf32, #tpu.memory_space<vmem>> -> memref<32xf32, #tpu.memory_space<vmem>>
    %dma_start3A_237 = arith.constant 0 : i32
    %dma_start3A_238 = tpu.memref_slice %arg18[%dma_start3A_237] : memref<9000000xf32, #tpu.memory_space<hbm>> -> memref<9000000xf32, #tpu.memory_space<hbm>>
    tpu.enqueue_indirect_dma source(%dma_start3A_236 : memref<32xf32, #tpu.memory_space<vmem>>) target(%dma_start3A_238 : memref<9000000xf32, #tpu.memory_space<hbm>>) offsets(%arg20 : memref<32xi32, #tpu.memory_space<vmem>>) semaphore(%arg22 : memref<!tpu.dma_semaphore, #tpu.memory_space<semaphore_mem>>)
    %dma_start3A_239 = arith.constant 7 : i32
    %dma_start3A_240 = arith.constant 0 : i32
    %dma_start3A_241 = tpu.memref_slice %arg21[%dma_start3A_239, %dma_start3A_240] : memref<8x32xf32, #tpu.memory_space<vmem>> -> memref<1x32xf32, #tpu.memory_space<vmem>>
    %dma_start3A_242 = tpu.memref_squeeze %dma_start3A_241 : memref<1x32xf32, #tpu.memory_space<vmem>> -> memref<32xf32, #tpu.memory_space<vmem>>
    %dma_start3A_243 = arith.constant 0 : i32
    %dma_start3A_244 = tpu.memref_slice %arg19[%dma_start3A_243] : memref<9000000xf32, #tpu.memory_space<hbm>> -> memref<9000000xf32, #tpu.memory_space<hbm>>
    tpu.enqueue_indirect_dma source(%dma_start3A_242 : memref<32xf32, #tpu.memory_space<vmem>>) target(%dma_start3A_244 : memref<9000000xf32, #tpu.memory_space<hbm>>) offsets(%arg20 : memref<32xi32, #tpu.memory_space<vmem>>) semaphore(%arg22 : memref<!tpu.dma_semaphore, #tpu.memory_space<semaphore_mem>>)
    %dma_wait3A_245 = arith.constant 0 : i32
    %dma_wait3A_246 = arith.constant 0 : i32
    %dma_wait3A_247 = tpu.memref_slice %arg21[%dma_wait3A_245, %dma_wait3A_246] : memref<8x32xf32, #tpu.memory_space<vmem>> -> memref<1x32xf32, #tpu.memory_space<vmem>>
    %dma_wait3A_248 = tpu.memref_squeeze %dma_wait3A_247 : memref<1x32xf32, #tpu.memory_space<vmem>> -> memref<32xf32, #tpu.memory_space<vmem>>
    %dma_wait3A_249 = arith.constant 0 : i32
    %dma_wait3A_250 = tpu.memref_slice %arg12[%dma_wait3A_249] : memref<9000000xf32, #tpu.memory_space<hbm>> -> memref<9000000xf32, #tpu.memory_space<hbm>>
    tpu.wait_indirect_dma semaphore(%arg22 : memref<!tpu.dma_semaphore, #tpu.memory_space<semaphore_mem>>) src(%dma_wait3A_248 : memref<32xf32, #tpu.memory_space<vmem>>) dst(%dma_wait3A_250 : memref<9000000xf32, #tpu.memory_space<hbm>>)
    %dma_wait3A_251 = arith.constant 1 : i32
    %dma_wait3A_252 = arith.constant 0 : i32
    %dma_wait3A_253 = tpu.memref_slice %arg21[%dma_wait3A_251, %dma_wait3A_252] : memref<8x32xf32, #tpu.memory_space<vmem>> -> memref<1x32xf32, #tpu.memory_space<vmem>>
    %dma_wait3A_254 = tpu.memref_squeeze %dma_wait3A_253 : memref<1x32xf32, #tpu.memory_space<vmem>> -> memref<32xf32, #tpu.memory_space<vmem>>
    %dma_wait3A_255 = arith.constant 0 : i32
    %dma_wait3A_256 = tpu.memref_slice %arg13[%dma_wait3A_255] : memref<9000000xf32, #tpu.memory_space<hbm>> -> memref<9000000xf32, #tpu.memory_space<hbm>>
    tpu.wait_indirect_dma semaphore(%arg22 : memref<!tpu.dma_semaphore, #tpu.memory_space<semaphore_mem>>) src(%dma_wait3A_254 : memref<32xf32, #tpu.memory_space<vmem>>) dst(%dma_wait3A_256 : memref<9000000xf32, #tpu.memory_space<hbm>>)
    %dma_wait3A_257 = arith.constant 2 : i32
    %dma_wait3A_258 = arith.constant 0 : i32
    %dma_wait3A_259 = tpu.memref_slice %arg21[%dma_wait3A_257, %dma_wait3A_258] : memref<8x32xf32, #tpu.memory_space<vmem>> -> memref<1x32xf32, #tpu.memory_space<vmem>>
    %dma_wait3A_260 = tpu.memref_squeeze %dma_wait3A_259 : memref<1x32xf32, #tpu.memory_space<vmem>> -> memref<32xf32, #tpu.memory_space<vmem>>
    %dma_wait3A_261 = arith.constant 0 : i32
    %dma_wait3A_262 = tpu.memref_slice %arg14[%dma_wait3A_261] : memref<9000000xf32, #tpu.memory_space<hbm>> -> memref<9000000xf32, #tpu.memory_space<hbm>>
    tpu.wait_indirect_dma semaphore(%arg22 : memref<!tpu.dma_semaphore, #tpu.memory_space<semaphore_mem>>) src(%dma_wait3A_260 : memref<32xf32, #tpu.memory_space<vmem>>) dst(%dma_wait3A_262 : memref<9000000xf32, #tpu.memory_space<hbm>>)
    %dma_wait3A_263 = arith.constant 3 : i32
    %dma_wait3A_264 = arith.constant 0 : i32
    %dma_wait3A_265 = tpu.memref_slice %arg21[%dma_wait3A_263, %dma_wait3A_264] : memref<8x32xf32, #tpu.memory_space<vmem>> -> memref<1x32xf32, #tpu.memory_space<vmem>>
    %dma_wait3A_266 = tpu.memref_squeeze %dma_wait3A_265 : memref<1x32xf32, #tpu.memory_space<vmem>> -> memref<32xf32, #tpu.memory_space<vmem>>
    %dma_wait3A_267 = arith.constant 0 : i32
    %dma_wait3A_268 = tpu.memref_slice %arg15[%dma_wait3A_267] : memref<9000000xf32, #tpu.memory_space<hbm>> -> memref<9000000xf32, #tpu.memory_space<hbm>>
    tpu.wait_indirect_dma semaphore(%arg22 : memref<!tpu.dma_semaphore, #tpu.memory_space<semaphore_mem>>) src(%dma_wait3A_266 : memref<32xf32, #tpu.memory_space<vmem>>) dst(%dma_wait3A_268 : memref<9000000xf32, #tpu.memory_space<hbm>>)
    %dma_wait3A_269 = arith.constant 4 : i32
    %dma_wait3A_270 = arith.constant 0 : i32
    %dma_wait3A_271 = tpu.memref_slice %arg21[%dma_wait3A_269, %dma_wait3A_270] : memref<8x32xf32, #tpu.memory_space<vmem>> -> memref<1x32xf32, #tpu.memory_space<vmem>>
    %dma_wait3A_272 = tpu.memref_squeeze %dma_wait3A_271 : memref<1x32xf32, #tpu.memory_space<vmem>> -> memref<32xf32, #tpu.memory_space<vmem>>
    %dma_wait3A_273 = arith.constant 0 : i32
    %dma_wait3A_274 = tpu.memref_slice %arg16[%dma_wait3A_273] : memref<9000000xf32, #tpu.memory_space<hbm>> -> memref<9000000xf32, #tpu.memory_space<hbm>>
    tpu.wait_indirect_dma semaphore(%arg22 : memref<!tpu.dma_semaphore, #tpu.memory_space<semaphore_mem>>) src(%dma_wait3A_272 : memref<32xf32, #tpu.memory_space<vmem>>) dst(%dma_wait3A_274 : memref<9000000xf32, #tpu.memory_space<hbm>>)
    %dma_wait3A_275 = arith.constant 5 : i32
    %dma_wait3A_276 = arith.constant 0 : i32
    %dma_wait3A_277 = tpu.memref_slice %arg21[%dma_wait3A_275, %dma_wait3A_276] : memref<8x32xf32, #tpu.memory_space<vmem>> -> memref<1x32xf32, #tpu.memory_space<vmem>>
    %dma_wait3A_278 = tpu.memref_squeeze %dma_wait3A_277 : memref<1x32xf32, #tpu.memory_space<vmem>> -> memref<32xf32, #tpu.memory_space<vmem>>
    %dma_wait3A_279 = arith.constant 0 : i32
    %dma_wait3A_280 = tpu.memref_slice %arg17[%dma_wait3A_279] : memref<9000000xf32, #tpu.memory_space<hbm>> -> memref<9000000xf32, #tpu.memory_space<hbm>>
    tpu.wait_indirect_dma semaphore(%arg22 : memref<!tpu.dma_semaphore, #tpu.memory_space<semaphore_mem>>) src(%dma_wait3A_278 : memref<32xf32, #tpu.memory_space<vmem>>) dst(%dma_wait3A_280 : memref<9000000xf32, #tpu.memory_space<hbm>>)
    %dma_wait3A_281 = arith.constant 6 : i32
    %dma_wait3A_282 = arith.constant 0 : i32
    %dma_wait3A_283 = tpu.memref_slice %arg21[%dma_wait3A_281, %dma_wait3A_282] : memref<8x32xf32, #tpu.memory_space<vmem>> -> memref<1x32xf32, #tpu.memory_space<vmem>>
    %dma_wait3A_284 = tpu.memref_squeeze %dma_wait3A_283 : memref<1x32xf32, #tpu.memory_space<vmem>> -> memref<32xf32, #tpu.memory_space<vmem>>
    %dma_wait3A_285 = arith.constant 0 : i32
    %dma_wait3A_286 = tpu.memref_slice %arg18[%dma_wait3A_285] : memref<9000000xf32, #tpu.memory_space<hbm>> -> memref<9000000xf32, #tpu.memory_space<hbm>>
    tpu.wait_indirect_dma semaphore(%arg22 : memref<!tpu.dma_semaphore, #tpu.memory_space<semaphore_mem>>) src(%dma_wait3A_284 : memref<32xf32, #tpu.memory_space<vmem>>) dst(%dma_wait3A_286 : memref<9000000xf32, #tpu.memory_space<hbm>>)
    %dma_wait3A_287 = arith.constant 7 : i32
    %dma_wait3A_288 = arith.constant 0 : i32
    %dma_wait3A_289 = tpu.memref_slice %arg21[%dma_wait3A_287, %dma_wait3A_288] : memref<8x32xf32, #tpu.memory_space<vmem>> -> memref<1x32xf32, #tpu.memory_space<vmem>>
    %dma_wait3A_290 = tpu.memref_squeeze %dma_wait3A_289 : memref<1x32xf32, #tpu.memory_space<vmem>> -> memref<32xf32, #tpu.memory_space<vmem>>
    %dma_wait3A_291 = arith.constant 0 : i32
    %dma_wait3A_292 = tpu.memref_slice %arg19[%dma_wait3A_291] : memref<9000000xf32, #tpu.memory_space<hbm>> -> memref<9000000xf32, #tpu.memory_space<hbm>>
    tpu.wait_indirect_dma semaphore(%arg22 : memref<!tpu.dma_semaphore, #tpu.memory_space<semaphore_mem>>) src(%dma_wait3A_290 : memref<32xf32, #tpu.memory_space<vmem>>) dst(%dma_wait3A_292 : memref<9000000xf32, #tpu.memory_space<hbm>>)
    return
  }
}

#map = affine_map<(d0, d1) -> (0)>
#map1 = affine_map<(d0, d1) -> (0, 0)>
module attributes {stable_mosaic.version = 14 : i64} {
  func.func @_gather_body(%arg0: i32, %arg1: i32, %arg2: memref<1024xi32, #tpu.memory_space<hbm>>, %arg3: memref<9000000xf32, #tpu.memory_space<hbm>>, %arg4: memref<9000000xf32, #tpu.memory_space<hbm>>, %arg5: memref<9000000xf32, #tpu.memory_space<hbm>>, %arg6: memref<9000000xf32, #tpu.memory_space<hbm>>, %arg7: memref<9000000xf32, #tpu.memory_space<hbm>>, %arg8: memref<9000000xf32, #tpu.memory_space<hbm>>, %arg9: memref<9000000xf32, #tpu.memory_space<hbm>>, %arg10: memref<9000000xf32, #tpu.memory_space<hbm>>, %arg11: memref<8x1024xf32, #tpu.memory_space<hbm>>, %arg12: memref<32xi32, #tpu.memory_space<vmem>>, %arg13: memref<8x32xf32, #tpu.memory_space<vmem>>, %arg14: memref<!tpu.dma_semaphore, #tpu.memory_space<semaphore_mem>>) attributes {dimension_semantics = [#tpu.dimension_semantics<core_parallel>, #tpu.dimension_semantics<subcore_parallel>], iteration_bounds = array<i64: 2, 16>, scalar_prefetch = 0 : i64, scratch_operands = 3 : i64, tpu.core_type = #tpu.core_type<sc_vector_subcore>, window_params = [{transform_indices = #map}, {transform_indices = #map}, {transform_indices = #map}, {transform_indices = #map}, {transform_indices = #map}, {transform_indices = #map}, {transform_indices = #map}, {transform_indices = #map}, {transform_indices = #map}, {transform_indices = #map1}]} {
    %mul3A = arith.constant 2 : i32
    %mul3A_0 = arith.muli %arg1, %mul3A : i32
    %add3A = arith.addi %mul3A_0, %arg0 : i32
    %mul3A_1 = arith.constant 32 : i32
    %mul3A_2 = arith.muli %add3A, %mul3A_1 : i32
    "tpu.region"() ({
      %run_scoped3A = tpu.sem_alloc : memref<!tpu.dma_semaphore, #tpu.memory_space<semaphore_mem>>
      %dma_start3A_289 = tpu.memref_slice %arg2[%mul3A_2] : memref<1024xi32, #tpu.memory_space<hbm>> -> memref<32xi32, #tpu.memory_space<hbm>>
      %dma_start3A_290 = tpu.memref_slice %arg2[%mul3A_2] : memref<1024xi32, #tpu.memory_space<hbm>> -> memref<32xi32, #tpu.memory_space<hbm>>
      tpu.enqueue_dma source(%dma_start3A_290 : memref<32xi32, #tpu.memory_space<hbm>>) target(%arg12 : memref<32xi32, #tpu.memory_space<vmem>>) target_semaphore(%run_scoped3A : memref<!tpu.dma_semaphore, #tpu.memory_space<semaphore_mem>>)
      %dma_wait3A_291 = tpu.memref_slice %arg2[%mul3A_2] : memref<1024xi32, #tpu.memory_space<hbm>> -> memref<32xi32, #tpu.memory_space<hbm>>
      %dma_wait3A_292 = tpu.memref_slice %arg2[%mul3A_2] : memref<1024xi32, #tpu.memory_space<hbm>> -> memref<32xi32, #tpu.memory_space<hbm>>
      tpu.wait_dma2 semaphore(%run_scoped3A : memref<!tpu.dma_semaphore, #tpu.memory_space<semaphore_mem>>) src(%dma_wait3A_292 : memref<32xi32, #tpu.memory_space<hbm>>) dst(%arg12 : memref<32xi32, #tpu.memory_space<vmem>>)
      tpu.yield
    }) : () -> ()
    %dma_start3A = arith.constant 0 : i32
    %dma_start3A_3 = arith.constant 0 : i32
    %dma_start3A_4 = tpu.memref_slice %arg13[%dma_start3A, %dma_start3A_3] : memref<8x32xf32, #tpu.memory_space<vmem>> -> memref<1x32xf32, #tpu.memory_space<vmem>>
    %dma_start3A_5 = tpu.memref_squeeze %dma_start3A_4 : memref<1x32xf32, #tpu.memory_space<vmem>> -> memref<32xf32, #tpu.memory_space<vmem>>
    %dma_start3A_6 = arith.constant 0 : i32
    %dma_start3A_7 = tpu.memref_slice %arg3[%dma_start3A_6] : memref<9000000xf32, #tpu.memory_space<hbm>> -> memref<9000000xf32, #tpu.memory_space<hbm>>
    tpu.enqueue_indirect_dma source(%dma_start3A_7 : memref<9000000xf32, #tpu.memory_space<hbm>>) target(%dma_start3A_5 : memref<32xf32, #tpu.memory_space<vmem>>) offsets(%arg12 : memref<32xi32, #tpu.memory_space<vmem>>) semaphore(%arg14 : memref<!tpu.dma_semaphore, #tpu.memory_space<semaphore_mem>>)
    %dma_start3A_8 = arith.constant 1 : i32
    %dma_start3A_9 = arith.constant 0 : i32
    %dma_start3A_10 = tpu.memref_slice %arg13[%dma_start3A_8, %dma_start3A_9] : memref<8x32xf32, #tpu.memory_space<vmem>> -> memref<1x32xf32, #tpu.memory_space<vmem>>
    %dma_start3A_11 = tpu.memref_squeeze %dma_start3A_10 : memref<1x32xf32, #tpu.memory_space<vmem>> -> memref<32xf32, #tpu.memory_space<vmem>>
    %dma_start3A_12 = arith.constant 0 : i32
    %dma_start3A_13 = tpu.memref_slice %arg4[%dma_start3A_12] : memref<9000000xf32, #tpu.memory_space<hbm>> -> memref<9000000xf32, #tpu.memory_space<hbm>>
    tpu.enqueue_indirect_dma source(%dma_start3A_13 : memref<9000000xf32, #tpu.memory_space<hbm>>) target(%dma_start3A_11 : memref<32xf32, #tpu.memory_space<vmem>>) offsets(%arg12 : memref<32xi32, #tpu.memory_space<vmem>>) semaphore(%arg14 : memref<!tpu.dma_semaphore, #tpu.memory_space<semaphore_mem>>)
    %dma_start3A_14 = arith.constant 2 : i32
    %dma_start3A_15 = arith.constant 0 : i32
    %dma_start3A_16 = tpu.memref_slice %arg13[%dma_start3A_14, %dma_start3A_15] : memref<8x32xf32, #tpu.memory_space<vmem>> -> memref<1x32xf32, #tpu.memory_space<vmem>>
    %dma_start3A_17 = tpu.memref_squeeze %dma_start3A_16 : memref<1x32xf32, #tpu.memory_space<vmem>> -> memref<32xf32, #tpu.memory_space<vmem>>
    %dma_start3A_18 = arith.constant 0 : i32
    %dma_start3A_19 = tpu.memref_slice %arg5[%dma_start3A_18] : memref<9000000xf32, #tpu.memory_space<hbm>> -> memref<9000000xf32, #tpu.memory_space<hbm>>
    tpu.enqueue_indirect_dma source(%dma_start3A_19 : memref<9000000xf32, #tpu.memory_space<hbm>>) target(%dma_start3A_17 : memref<32xf32, #tpu.memory_space<vmem>>) offsets(%arg12 : memref<32xi32, #tpu.memory_space<vmem>>) semaphore(%arg14 : memref<!tpu.dma_semaphore, #tpu.memory_space<semaphore_mem>>)
    %dma_start3A_20 = arith.constant 3 : i32
    %dma_start3A_21 = arith.constant 0 : i32
    %dma_start3A_22 = tpu.memref_slice %arg13[%dma_start3A_20, %dma_start3A_21] : memref<8x32xf32, #tpu.memory_space<vmem>> -> memref<1x32xf32, #tpu.memory_space<vmem>>
    %dma_start3A_23 = tpu.memref_squeeze %dma_start3A_22 : memref<1x32xf32, #tpu.memory_space<vmem>> -> memref<32xf32, #tpu.memory_space<vmem>>
    %dma_start3A_24 = arith.constant 0 : i32
    %dma_start3A_25 = tpu.memref_slice %arg6[%dma_start3A_24] : memref<9000000xf32, #tpu.memory_space<hbm>> -> memref<9000000xf32, #tpu.memory_space<hbm>>
    tpu.enqueue_indirect_dma source(%dma_start3A_25 : memref<9000000xf32, #tpu.memory_space<hbm>>) target(%dma_start3A_23 : memref<32xf32, #tpu.memory_space<vmem>>) offsets(%arg12 : memref<32xi32, #tpu.memory_space<vmem>>) semaphore(%arg14 : memref<!tpu.dma_semaphore, #tpu.memory_space<semaphore_mem>>)
    %dma_start3A_26 = arith.constant 4 : i32
    %dma_start3A_27 = arith.constant 0 : i32
    %dma_start3A_28 = tpu.memref_slice %arg13[%dma_start3A_26, %dma_start3A_27] : memref<8x32xf32, #tpu.memory_space<vmem>> -> memref<1x32xf32, #tpu.memory_space<vmem>>
    %dma_start3A_29 = tpu.memref_squeeze %dma_start3A_28 : memref<1x32xf32, #tpu.memory_space<vmem>> -> memref<32xf32, #tpu.memory_space<vmem>>
    %dma_start3A_30 = arith.constant 0 : i32
    %dma_start3A_31 = tpu.memref_slice %arg7[%dma_start3A_30] : memref<9000000xf32, #tpu.memory_space<hbm>> -> memref<9000000xf32, #tpu.memory_space<hbm>>
    tpu.enqueue_indirect_dma source(%dma_start3A_31 : memref<9000000xf32, #tpu.memory_space<hbm>>) target(%dma_start3A_29 : memref<32xf32, #tpu.memory_space<vmem>>) offsets(%arg12 : memref<32xi32, #tpu.memory_space<vmem>>) semaphore(%arg14 : memref<!tpu.dma_semaphore, #tpu.memory_space<semaphore_mem>>)
    %dma_start3A_32 = arith.constant 5 : i32
    %dma_start3A_33 = arith.constant 0 : i32
    %dma_start3A_34 = tpu.memref_slice %arg13[%dma_start3A_32, %dma_start3A_33] : memref<8x32xf32, #tpu.memory_space<vmem>> -> memref<1x32xf32, #tpu.memory_space<vmem>>
    %dma_start3A_35 = tpu.memref_squeeze %dma_start3A_34 : memref<1x32xf32, #tpu.memory_space<vmem>> -> memref<32xf32, #tpu.memory_space<vmem>>
    %dma_start3A_36 = arith.constant 0 : i32
    %dma_start3A_37 = tpu.memref_slice %arg8[%dma_start3A_36] : memref<9000000xf32, #tpu.memory_space<hbm>> -> memref<9000000xf32, #tpu.memory_space<hbm>>
    tpu.enqueue_indirect_dma source(%dma_start3A_37 : memref<9000000xf32, #tpu.memory_space<hbm>>) target(%dma_start3A_35 : memref<32xf32, #tpu.memory_space<vmem>>) offsets(%arg12 : memref<32xi32, #tpu.memory_space<vmem>>) semaphore(%arg14 : memref<!tpu.dma_semaphore, #tpu.memory_space<semaphore_mem>>)
    %dma_start3A_38 = arith.constant 6 : i32
    %dma_start3A_39 = arith.constant 0 : i32
    %dma_start3A_40 = tpu.memref_slice %arg13[%dma_start3A_38, %dma_start3A_39] : memref<8x32xf32, #tpu.memory_space<vmem>> -> memref<1x32xf32, #tpu.memory_space<vmem>>
    %dma_start3A_41 = tpu.memref_squeeze %dma_start3A_40 : memref<1x32xf32, #tpu.memory_space<vmem>> -> memref<32xf32, #tpu.memory_space<vmem>>
    %dma_start3A_42 = arith.constant 0 : i32
    %dma_start3A_43 = tpu.memref_slice %arg9[%dma_start3A_42] : memref<9000000xf32, #tpu.memory_space<hbm>> -> memref<9000000xf32, #tpu.memory_space<hbm>>
    tpu.enqueue_indirect_dma source(%dma_start3A_43 : memref<9000000xf32, #tpu.memory_space<hbm>>) target(%dma_start3A_41 : memref<32xf32, #tpu.memory_space<vmem>>) offsets(%arg12 : memref<32xi32, #tpu.memory_space<vmem>>) semaphore(%arg14 : memref<!tpu.dma_semaphore, #tpu.memory_space<semaphore_mem>>)
    %dma_start3A_44 = arith.constant 7 : i32
    %dma_start3A_45 = arith.constant 0 : i32
    %dma_start3A_46 = tpu.memref_slice %arg13[%dma_start3A_44, %dma_start3A_45] : memref<8x32xf32, #tpu.memory_space<vmem>> -> memref<1x32xf32, #tpu.memory_space<vmem>>
    %dma_start3A_47 = tpu.memref_squeeze %dma_start3A_46 : memref<1x32xf32, #tpu.memory_space<vmem>> -> memref<32xf32, #tpu.memory_space<vmem>>
    %dma_start3A_48 = arith.constant 0 : i32
    %dma_start3A_49 = tpu.memref_slice %arg10[%dma_start3A_48] : memref<9000000xf32, #tpu.memory_space<hbm>> -> memref<9000000xf32, #tpu.memory_space<hbm>>
    tpu.enqueue_indirect_dma source(%dma_start3A_49 : memref<9000000xf32, #tpu.memory_space<hbm>>) target(%dma_start3A_47 : memref<32xf32, #tpu.memory_space<vmem>>) offsets(%arg12 : memref<32xi32, #tpu.memory_space<vmem>>) semaphore(%arg14 : memref<!tpu.dma_semaphore, #tpu.memory_space<semaphore_mem>>)
    %dma_wait3A = arith.constant 0 : i32
    %dma_wait3A_50 = arith.constant 0 : i32
    %dma_wait3A_51 = tpu.memref_slice %arg13[%dma_wait3A, %dma_wait3A_50] : memref<8x32xf32, #tpu.memory_space<vmem>> -> memref<1x32xf32, #tpu.memory_space<vmem>>
    %dma_wait3A_52 = tpu.memref_squeeze %dma_wait3A_51 : memref<1x32xf32, #tpu.memory_space<vmem>> -> memref<32xf32, #tpu.memory_space<vmem>>
    %dma_wait3A_53 = arith.constant 0 : i32
    %dma_wait3A_54 = tpu.memref_slice %arg3[%dma_wait3A_53] : memref<9000000xf32, #tpu.memory_space<hbm>> -> memref<9000000xf32, #tpu.memory_space<hbm>>
    tpu.wait_indirect_dma semaphore(%arg14 : memref<!tpu.dma_semaphore, #tpu.memory_space<semaphore_mem>>) src(%dma_wait3A_54 : memref<9000000xf32, #tpu.memory_space<hbm>>) dst(%dma_wait3A_52 : memref<32xf32, #tpu.memory_space<vmem>>)
    %dma_wait3A_55 = arith.constant 1 : i32
    %dma_wait3A_56 = arith.constant 0 : i32
    %dma_wait3A_57 = tpu.memref_slice %arg13[%dma_wait3A_55, %dma_wait3A_56] : memref<8x32xf32, #tpu.memory_space<vmem>> -> memref<1x32xf32, #tpu.memory_space<vmem>>
    %dma_wait3A_58 = tpu.memref_squeeze %dma_wait3A_57 : memref<1x32xf32, #tpu.memory_space<vmem>> -> memref<32xf32, #tpu.memory_space<vmem>>
    %dma_wait3A_59 = arith.constant 0 : i32
    %dma_wait3A_60 = tpu.memref_slice %arg4[%dma_wait3A_59] : memref<9000000xf32, #tpu.memory_space<hbm>> -> memref<9000000xf32, #tpu.memory_space<hbm>>
    tpu.wait_indirect_dma semaphore(%arg14 : memref<!tpu.dma_semaphore, #tpu.memory_space<semaphore_mem>>) src(%dma_wait3A_60 : memref<9000000xf32, #tpu.memory_space<hbm>>) dst(%dma_wait3A_58 : memref<32xf32, #tpu.memory_space<vmem>>)
    %dma_wait3A_61 = arith.constant 2 : i32
    %dma_wait3A_62 = arith.constant 0 : i32
    %dma_wait3A_63 = tpu.memref_slice %arg13[%dma_wait3A_61, %dma_wait3A_62] : memref<8x32xf32, #tpu.memory_space<vmem>> -> memref<1x32xf32, #tpu.memory_space<vmem>>
    %dma_wait3A_64 = tpu.memref_squeeze %dma_wait3A_63 : memref<1x32xf32, #tpu.memory_space<vmem>> -> memref<32xf32, #tpu.memory_space<vmem>>
    %dma_wait3A_65 = arith.constant 0 : i32
    %dma_wait3A_66 = tpu.memref_slice %arg5[%dma_wait3A_65] : memref<9000000xf32, #tpu.memory_space<hbm>> -> memref<9000000xf32, #tpu.memory_space<hbm>>
    tpu.wait_indirect_dma semaphore(%arg14 : memref<!tpu.dma_semaphore, #tpu.memory_space<semaphore_mem>>) src(%dma_wait3A_66 : memref<9000000xf32, #tpu.memory_space<hbm>>) dst(%dma_wait3A_64 : memref<32xf32, #tpu.memory_space<vmem>>)
    %dma_wait3A_67 = arith.constant 3 : i32
    %dma_wait3A_68 = arith.constant 0 : i32
    %dma_wait3A_69 = tpu.memref_slice %arg13[%dma_wait3A_67, %dma_wait3A_68] : memref<8x32xf32, #tpu.memory_space<vmem>> -> memref<1x32xf32, #tpu.memory_space<vmem>>
    %dma_wait3A_70 = tpu.memref_squeeze %dma_wait3A_69 : memref<1x32xf32, #tpu.memory_space<vmem>> -> memref<32xf32, #tpu.memory_space<vmem>>
    %dma_wait3A_71 = arith.constant 0 : i32
    %dma_wait3A_72 = tpu.memref_slice %arg6[%dma_wait3A_71] : memref<9000000xf32, #tpu.memory_space<hbm>> -> memref<9000000xf32, #tpu.memory_space<hbm>>
    tpu.wait_indirect_dma semaphore(%arg14 : memref<!tpu.dma_semaphore, #tpu.memory_space<semaphore_mem>>) src(%dma_wait3A_72 : memref<9000000xf32, #tpu.memory_space<hbm>>) dst(%dma_wait3A_70 : memref<32xf32, #tpu.memory_space<vmem>>)
    %dma_wait3A_73 = arith.constant 4 : i32
    %dma_wait3A_74 = arith.constant 0 : i32
    %dma_wait3A_75 = tpu.memref_slice %arg13[%dma_wait3A_73, %dma_wait3A_74] : memref<8x32xf32, #tpu.memory_space<vmem>> -> memref<1x32xf32, #tpu.memory_space<vmem>>
    %dma_wait3A_76 = tpu.memref_squeeze %dma_wait3A_75 : memref<1x32xf32, #tpu.memory_space<vmem>> -> memref<32xf32, #tpu.memory_space<vmem>>
    %dma_wait3A_77 = arith.constant 0 : i32
    %dma_wait3A_78 = tpu.memref_slice %arg7[%dma_wait3A_77] : memref<9000000xf32, #tpu.memory_space<hbm>> -> memref<9000000xf32, #tpu.memory_space<hbm>>
    tpu.wait_indirect_dma semaphore(%arg14 : memref<!tpu.dma_semaphore, #tpu.memory_space<semaphore_mem>>) src(%dma_wait3A_78 : memref<9000000xf32, #tpu.memory_space<hbm>>) dst(%dma_wait3A_76 : memref<32xf32, #tpu.memory_space<vmem>>)
    %dma_wait3A_79 = arith.constant 5 : i32
    %dma_wait3A_80 = arith.constant 0 : i32
    %dma_wait3A_81 = tpu.memref_slice %arg13[%dma_wait3A_79, %dma_wait3A_80] : memref<8x32xf32, #tpu.memory_space<vmem>> -> memref<1x32xf32, #tpu.memory_space<vmem>>
    %dma_wait3A_82 = tpu.memref_squeeze %dma_wait3A_81 : memref<1x32xf32, #tpu.memory_space<vmem>> -> memref<32xf32, #tpu.memory_space<vmem>>
    %dma_wait3A_83 = arith.constant 0 : i32
    %dma_wait3A_84 = tpu.memref_slice %arg8[%dma_wait3A_83] : memref<9000000xf32, #tpu.memory_space<hbm>> -> memref<9000000xf32, #tpu.memory_space<hbm>>
    tpu.wait_indirect_dma semaphore(%arg14 : memref<!tpu.dma_semaphore, #tpu.memory_space<semaphore_mem>>) src(%dma_wait3A_84 : memref<9000000xf32, #tpu.memory_space<hbm>>) dst(%dma_wait3A_82 : memref<32xf32, #tpu.memory_space<vmem>>)
    %dma_wait3A_85 = arith.constant 6 : i32
    %dma_wait3A_86 = arith.constant 0 : i32
    %dma_wait3A_87 = tpu.memref_slice %arg13[%dma_wait3A_85, %dma_wait3A_86] : memref<8x32xf32, #tpu.memory_space<vmem>> -> memref<1x32xf32, #tpu.memory_space<vmem>>
    %dma_wait3A_88 = tpu.memref_squeeze %dma_wait3A_87 : memref<1x32xf32, #tpu.memory_space<vmem>> -> memref<32xf32, #tpu.memory_space<vmem>>
    %dma_wait3A_89 = arith.constant 0 : i32
    %dma_wait3A_90 = tpu.memref_slice %arg9[%dma_wait3A_89] : memref<9000000xf32, #tpu.memory_space<hbm>> -> memref<9000000xf32, #tpu.memory_space<hbm>>
    tpu.wait_indirect_dma semaphore(%arg14 : memref<!tpu.dma_semaphore, #tpu.memory_space<semaphore_mem>>) src(%dma_wait3A_90 : memref<9000000xf32, #tpu.memory_space<hbm>>) dst(%dma_wait3A_88 : memref<32xf32, #tpu.memory_space<vmem>>)
    %dma_wait3A_91 = arith.constant 7 : i32
    %dma_wait3A_92 = arith.constant 0 : i32
    %dma_wait3A_93 = tpu.memref_slice %arg13[%dma_wait3A_91, %dma_wait3A_92] : memref<8x32xf32, #tpu.memory_space<vmem>> -> memref<1x32xf32, #tpu.memory_space<vmem>>
    %dma_wait3A_94 = tpu.memref_squeeze %dma_wait3A_93 : memref<1x32xf32, #tpu.memory_space<vmem>> -> memref<32xf32, #tpu.memory_space<vmem>>
    %dma_wait3A_95 = arith.constant 0 : i32
    %dma_wait3A_96 = tpu.memref_slice %arg10[%dma_wait3A_95] : memref<9000000xf32, #tpu.memory_space<hbm>> -> memref<9000000xf32, #tpu.memory_space<hbm>>
    tpu.wait_indirect_dma semaphore(%arg14 : memref<!tpu.dma_semaphore, #tpu.memory_space<semaphore_mem>>) src(%dma_wait3A_96 : memref<9000000xf32, #tpu.memory_space<hbm>>) dst(%dma_wait3A_94 : memref<32xf32, #tpu.memory_space<vmem>>)
    %dma_start3A_97 = arith.constant 0 : i32
    %dma_start3A_98 = arith.constant 0 : i32
    %dma_start3A_99 = arith.constant 0 : i32
    %dma_start3A_100 = tpu.memref_slice %arg13[%dma_start3A_97, %dma_start3A_99] : memref<8x32xf32, #tpu.memory_space<vmem>> -> memref<1x32xf32, #tpu.memory_space<vmem>>
    %dma_start3A_101 = tpu.memref_squeeze %dma_start3A_100 : memref<1x32xf32, #tpu.memory_space<vmem>> -> memref<32xf32, #tpu.memory_space<vmem>>
    %dma_start3A_102 = tpu.memref_slice %arg11[%dma_start3A_98, %mul3A_2] : memref<8x1024xf32, #tpu.memory_space<hbm>> -> memref<1x32xf32, #tpu.memory_space<hbm>>
    %dma_start3A_103 = tpu.memref_squeeze %dma_start3A_102 : memref<1x32xf32, #tpu.memory_space<hbm>> -> memref<32xf32, #tpu.memory_space<hbm>>
    %dma_start3A_104 = tpu.memref_slice %arg11[%dma_start3A_98, %mul3A_2] : memref<8x1024xf32, #tpu.memory_space<hbm>> -> memref<1x32xf32, #tpu.memory_space<hbm>>
    %dma_start3A_105 = tpu.memref_squeeze %dma_start3A_104 : memref<1x32xf32, #tpu.memory_space<hbm>> -> memref<32xf32, #tpu.memory_space<hbm>>
    %dma_start3A_106 = arith.constant 0 : i32
    %dma_start3A_107 = tpu.memref_slice %arg13[%dma_start3A_97, %dma_start3A_106] : memref<8x32xf32, #tpu.memory_space<vmem>> -> memref<1x32xf32, #tpu.memory_space<vmem>>
    %dma_start3A_108 = tpu.memref_squeeze %dma_start3A_107 : memref<1x32xf32, #tpu.memory_space<vmem>> -> memref<32xf32, #tpu.memory_space<vmem>>
    tpu.enqueue_dma source(%dma_start3A_108 : memref<32xf32, #tpu.memory_space<vmem>>) target(%dma_start3A_105 : memref<32xf32, #tpu.memory_space<hbm>>) target_semaphore(%arg14 : memref<!tpu.dma_semaphore, #tpu.memory_space<semaphore_mem>>)
    %dma_start3A_109 = arith.constant 1 : i32
    %dma_start3A_110 = arith.constant 1 : i32
    %dma_start3A_111 = arith.constant 0 : i32
    %dma_start3A_112 = tpu.memref_slice %arg13[%dma_start3A_109, %dma_start3A_111] : memref<8x32xf32, #tpu.memory_space<vmem>> -> memref<1x32xf32, #tpu.memory_space<vmem>>
    %dma_start3A_113 = tpu.memref_squeeze %dma_start3A_112 : memref<1x32xf32, #tpu.memory_space<vmem>> -> memref<32xf32, #tpu.memory_space<vmem>>
    %dma_start3A_114 = tpu.memref_slice %arg11[%dma_start3A_110, %mul3A_2] : memref<8x1024xf32, #tpu.memory_space<hbm>> -> memref<1x32xf32, #tpu.memory_space<hbm>>
    %dma_start3A_115 = tpu.memref_squeeze %dma_start3A_114 : memref<1x32xf32, #tpu.memory_space<hbm>> -> memref<32xf32, #tpu.memory_space<hbm>>
    %dma_start3A_116 = tpu.memref_slice %arg11[%dma_start3A_110, %mul3A_2] : memref<8x1024xf32, #tpu.memory_space<hbm>> -> memref<1x32xf32, #tpu.memory_space<hbm>>
    %dma_start3A_117 = tpu.memref_squeeze %dma_start3A_116 : memref<1x32xf32, #tpu.memory_space<hbm>> -> memref<32xf32, #tpu.memory_space<hbm>>
    %dma_start3A_118 = arith.constant 0 : i32
    %dma_start3A_119 = tpu.memref_slice %arg13[%dma_start3A_109, %dma_start3A_118] : memref<8x32xf32, #tpu.memory_space<vmem>> -> memref<1x32xf32, #tpu.memory_space<vmem>>
    %dma_start3A_120 = tpu.memref_squeeze %dma_start3A_119 : memref<1x32xf32, #tpu.memory_space<vmem>> -> memref<32xf32, #tpu.memory_space<vmem>>
    tpu.enqueue_dma source(%dma_start3A_120 : memref<32xf32, #tpu.memory_space<vmem>>) target(%dma_start3A_117 : memref<32xf32, #tpu.memory_space<hbm>>) target_semaphore(%arg14 : memref<!tpu.dma_semaphore, #tpu.memory_space<semaphore_mem>>)
    %dma_start3A_121 = arith.constant 2 : i32
    %dma_start3A_122 = arith.constant 2 : i32
    %dma_start3A_123 = arith.constant 0 : i32
    %dma_start3A_124 = tpu.memref_slice %arg13[%dma_start3A_121, %dma_start3A_123] : memref<8x32xf32, #tpu.memory_space<vmem>> -> memref<1x32xf32, #tpu.memory_space<vmem>>
    %dma_start3A_125 = tpu.memref_squeeze %dma_start3A_124 : memref<1x32xf32, #tpu.memory_space<vmem>> -> memref<32xf32, #tpu.memory_space<vmem>>
    %dma_start3A_126 = tpu.memref_slice %arg11[%dma_start3A_122, %mul3A_2] : memref<8x1024xf32, #tpu.memory_space<hbm>> -> memref<1x32xf32, #tpu.memory_space<hbm>>
    %dma_start3A_127 = tpu.memref_squeeze %dma_start3A_126 : memref<1x32xf32, #tpu.memory_space<hbm>> -> memref<32xf32, #tpu.memory_space<hbm>>
    %dma_start3A_128 = tpu.memref_slice %arg11[%dma_start3A_122, %mul3A_2] : memref<8x1024xf32, #tpu.memory_space<hbm>> -> memref<1x32xf32, #tpu.memory_space<hbm>>
    %dma_start3A_129 = tpu.memref_squeeze %dma_start3A_128 : memref<1x32xf32, #tpu.memory_space<hbm>> -> memref<32xf32, #tpu.memory_space<hbm>>
    %dma_start3A_130 = arith.constant 0 : i32
    %dma_start3A_131 = tpu.memref_slice %arg13[%dma_start3A_121, %dma_start3A_130] : memref<8x32xf32, #tpu.memory_space<vmem>> -> memref<1x32xf32, #tpu.memory_space<vmem>>
    %dma_start3A_132 = tpu.memref_squeeze %dma_start3A_131 : memref<1x32xf32, #tpu.memory_space<vmem>> -> memref<32xf32, #tpu.memory_space<vmem>>
    tpu.enqueue_dma source(%dma_start3A_132 : memref<32xf32, #tpu.memory_space<vmem>>) target(%dma_start3A_129 : memref<32xf32, #tpu.memory_space<hbm>>) target_semaphore(%arg14 : memref<!tpu.dma_semaphore, #tpu.memory_space<semaphore_mem>>)
    %dma_start3A_133 = arith.constant 3 : i32
    %dma_start3A_134 = arith.constant 3 : i32
    %dma_start3A_135 = arith.constant 0 : i32
    %dma_start3A_136 = tpu.memref_slice %arg13[%dma_start3A_133, %dma_start3A_135] : memref<8x32xf32, #tpu.memory_space<vmem>> -> memref<1x32xf32, #tpu.memory_space<vmem>>
    %dma_start3A_137 = tpu.memref_squeeze %dma_start3A_136 : memref<1x32xf32, #tpu.memory_space<vmem>> -> memref<32xf32, #tpu.memory_space<vmem>>
    %dma_start3A_138 = tpu.memref_slice %arg11[%dma_start3A_134, %mul3A_2] : memref<8x1024xf32, #tpu.memory_space<hbm>> -> memref<1x32xf32, #tpu.memory_space<hbm>>
    %dma_start3A_139 = tpu.memref_squeeze %dma_start3A_138 : memref<1x32xf32, #tpu.memory_space<hbm>> -> memref<32xf32, #tpu.memory_space<hbm>>
    %dma_start3A_140 = tpu.memref_slice %arg11[%dma_start3A_134, %mul3A_2] : memref<8x1024xf32, #tpu.memory_space<hbm>> -> memref<1x32xf32, #tpu.memory_space<hbm>>
    %dma_start3A_141 = tpu.memref_squeeze %dma_start3A_140 : memref<1x32xf32, #tpu.memory_space<hbm>> -> memref<32xf32, #tpu.memory_space<hbm>>
    %dma_start3A_142 = arith.constant 0 : i32
    %dma_start3A_143 = tpu.memref_slice %arg13[%dma_start3A_133, %dma_start3A_142] : memref<8x32xf32, #tpu.memory_space<vmem>> -> memref<1x32xf32, #tpu.memory_space<vmem>>
    %dma_start3A_144 = tpu.memref_squeeze %dma_start3A_143 : memref<1x32xf32, #tpu.memory_space<vmem>> -> memref<32xf32, #tpu.memory_space<vmem>>
    tpu.enqueue_dma source(%dma_start3A_144 : memref<32xf32, #tpu.memory_space<vmem>>) target(%dma_start3A_141 : memref<32xf32, #tpu.memory_space<hbm>>) target_semaphore(%arg14 : memref<!tpu.dma_semaphore, #tpu.memory_space<semaphore_mem>>)
    %dma_start3A_145 = arith.constant 4 : i32
    %dma_start3A_146 = arith.constant 4 : i32
    %dma_start3A_147 = arith.constant 0 : i32
    %dma_start3A_148 = tpu.memref_slice %arg13[%dma_start3A_145, %dma_start3A_147] : memref<8x32xf32, #tpu.memory_space<vmem>> -> memref<1x32xf32, #tpu.memory_space<vmem>>
    %dma_start3A_149 = tpu.memref_squeeze %dma_start3A_148 : memref<1x32xf32, #tpu.memory_space<vmem>> -> memref<32xf32, #tpu.memory_space<vmem>>
    %dma_start3A_150 = tpu.memref_slice %arg11[%dma_start3A_146, %mul3A_2] : memref<8x1024xf32, #tpu.memory_space<hbm>> -> memref<1x32xf32, #tpu.memory_space<hbm>>
    %dma_start3A_151 = tpu.memref_squeeze %dma_start3A_150 : memref<1x32xf32, #tpu.memory_space<hbm>> -> memref<32xf32, #tpu.memory_space<hbm>>
    %dma_start3A_152 = tpu.memref_slice %arg11[%dma_start3A_146, %mul3A_2] : memref<8x1024xf32, #tpu.memory_space<hbm>> -> memref<1x32xf32, #tpu.memory_space<hbm>>
    %dma_start3A_153 = tpu.memref_squeeze %dma_start3A_152 : memref<1x32xf32, #tpu.memory_space<hbm>> -> memref<32xf32, #tpu.memory_space<hbm>>
    %dma_start3A_154 = arith.constant 0 : i32
    %dma_start3A_155 = tpu.memref_slice %arg13[%dma_start3A_145, %dma_start3A_154] : memref<8x32xf32, #tpu.memory_space<vmem>> -> memref<1x32xf32, #tpu.memory_space<vmem>>
    %dma_start3A_156 = tpu.memref_squeeze %dma_start3A_155 : memref<1x32xf32, #tpu.memory_space<vmem>> -> memref<32xf32, #tpu.memory_space<vmem>>
    tpu.enqueue_dma source(%dma_start3A_156 : memref<32xf32, #tpu.memory_space<vmem>>) target(%dma_start3A_153 : memref<32xf32, #tpu.memory_space<hbm>>) target_semaphore(%arg14 : memref<!tpu.dma_semaphore, #tpu.memory_space<semaphore_mem>>)
    %dma_start3A_157 = arith.constant 5 : i32
    %dma_start3A_158 = arith.constant 5 : i32
    %dma_start3A_159 = arith.constant 0 : i32
    %dma_start3A_160 = tpu.memref_slice %arg13[%dma_start3A_157, %dma_start3A_159] : memref<8x32xf32, #tpu.memory_space<vmem>> -> memref<1x32xf32, #tpu.memory_space<vmem>>
    %dma_start3A_161 = tpu.memref_squeeze %dma_start3A_160 : memref<1x32xf32, #tpu.memory_space<vmem>> -> memref<32xf32, #tpu.memory_space<vmem>>
    %dma_start3A_162 = tpu.memref_slice %arg11[%dma_start3A_158, %mul3A_2] : memref<8x1024xf32, #tpu.memory_space<hbm>> -> memref<1x32xf32, #tpu.memory_space<hbm>>
    %dma_start3A_163 = tpu.memref_squeeze %dma_start3A_162 : memref<1x32xf32, #tpu.memory_space<hbm>> -> memref<32xf32, #tpu.memory_space<hbm>>
    %dma_start3A_164 = tpu.memref_slice %arg11[%dma_start3A_158, %mul3A_2] : memref<8x1024xf32, #tpu.memory_space<hbm>> -> memref<1x32xf32, #tpu.memory_space<hbm>>
    %dma_start3A_165 = tpu.memref_squeeze %dma_start3A_164 : memref<1x32xf32, #tpu.memory_space<hbm>> -> memref<32xf32, #tpu.memory_space<hbm>>
    %dma_start3A_166 = arith.constant 0 : i32
    %dma_start3A_167 = tpu.memref_slice %arg13[%dma_start3A_157, %dma_start3A_166] : memref<8x32xf32, #tpu.memory_space<vmem>> -> memref<1x32xf32, #tpu.memory_space<vmem>>
    %dma_start3A_168 = tpu.memref_squeeze %dma_start3A_167 : memref<1x32xf32, #tpu.memory_space<vmem>> -> memref<32xf32, #tpu.memory_space<vmem>>
    tpu.enqueue_dma source(%dma_start3A_168 : memref<32xf32, #tpu.memory_space<vmem>>) target(%dma_start3A_165 : memref<32xf32, #tpu.memory_space<hbm>>) target_semaphore(%arg14 : memref<!tpu.dma_semaphore, #tpu.memory_space<semaphore_mem>>)
    %dma_start3A_169 = arith.constant 6 : i32
    %dma_start3A_170 = arith.constant 6 : i32
    %dma_start3A_171 = arith.constant 0 : i32
    %dma_start3A_172 = tpu.memref_slice %arg13[%dma_start3A_169, %dma_start3A_171] : memref<8x32xf32, #tpu.memory_space<vmem>> -> memref<1x32xf32, #tpu.memory_space<vmem>>
    %dma_start3A_173 = tpu.memref_squeeze %dma_start3A_172 : memref<1x32xf32, #tpu.memory_space<vmem>> -> memref<32xf32, #tpu.memory_space<vmem>>
    %dma_start3A_174 = tpu.memref_slice %arg11[%dma_start3A_170, %mul3A_2] : memref<8x1024xf32, #tpu.memory_space<hbm>> -> memref<1x32xf32, #tpu.memory_space<hbm>>
    %dma_start3A_175 = tpu.memref_squeeze %dma_start3A_174 : memref<1x32xf32, #tpu.memory_space<hbm>> -> memref<32xf32, #tpu.memory_space<hbm>>
    %dma_start3A_176 = tpu.memref_slice %arg11[%dma_start3A_170, %mul3A_2] : memref<8x1024xf32, #tpu.memory_space<hbm>> -> memref<1x32xf32, #tpu.memory_space<hbm>>
    %dma_start3A_177 = tpu.memref_squeeze %dma_start3A_176 : memref<1x32xf32, #tpu.memory_space<hbm>> -> memref<32xf32, #tpu.memory_space<hbm>>
    %dma_start3A_178 = arith.constant 0 : i32
    %dma_start3A_179 = tpu.memref_slice %arg13[%dma_start3A_169, %dma_start3A_178] : memref<8x32xf32, #tpu.memory_space<vmem>> -> memref<1x32xf32, #tpu.memory_space<vmem>>
    %dma_start3A_180 = tpu.memref_squeeze %dma_start3A_179 : memref<1x32xf32, #tpu.memory_space<vmem>> -> memref<32xf32, #tpu.memory_space<vmem>>
    tpu.enqueue_dma source(%dma_start3A_180 : memref<32xf32, #tpu.memory_space<vmem>>) target(%dma_start3A_177 : memref<32xf32, #tpu.memory_space<hbm>>) target_semaphore(%arg14 : memref<!tpu.dma_semaphore, #tpu.memory_space<semaphore_mem>>)
    %dma_start3A_181 = arith.constant 7 : i32
    %dma_start3A_182 = arith.constant 7 : i32
    %dma_start3A_183 = arith.constant 0 : i32
    %dma_start3A_184 = tpu.memref_slice %arg13[%dma_start3A_181, %dma_start3A_183] : memref<8x32xf32, #tpu.memory_space<vmem>> -> memref<1x32xf32, #tpu.memory_space<vmem>>
    %dma_start3A_185 = tpu.memref_squeeze %dma_start3A_184 : memref<1x32xf32, #tpu.memory_space<vmem>> -> memref<32xf32, #tpu.memory_space<vmem>>
    %dma_start3A_186 = tpu.memref_slice %arg11[%dma_start3A_182, %mul3A_2] : memref<8x1024xf32, #tpu.memory_space<hbm>> -> memref<1x32xf32, #tpu.memory_space<hbm>>
    %dma_start3A_187 = tpu.memref_squeeze %dma_start3A_186 : memref<1x32xf32, #tpu.memory_space<hbm>> -> memref<32xf32, #tpu.memory_space<hbm>>
    %dma_start3A_188 = tpu.memref_slice %arg11[%dma_start3A_182, %mul3A_2] : memref<8x1024xf32, #tpu.memory_space<hbm>> -> memref<1x32xf32, #tpu.memory_space<hbm>>
    %dma_start3A_189 = tpu.memref_squeeze %dma_start3A_188 : memref<1x32xf32, #tpu.memory_space<hbm>> -> memref<32xf32, #tpu.memory_space<hbm>>
    %dma_start3A_190 = arith.constant 0 : i32
    %dma_start3A_191 = tpu.memref_slice %arg13[%dma_start3A_181, %dma_start3A_190] : memref<8x32xf32, #tpu.memory_space<vmem>> -> memref<1x32xf32, #tpu.memory_space<vmem>>
    %dma_start3A_192 = tpu.memref_squeeze %dma_start3A_191 : memref<1x32xf32, #tpu.memory_space<vmem>> -> memref<32xf32, #tpu.memory_space<vmem>>
    tpu.enqueue_dma source(%dma_start3A_192 : memref<32xf32, #tpu.memory_space<vmem>>) target(%dma_start3A_189 : memref<32xf32, #tpu.memory_space<hbm>>) target_semaphore(%arg14 : memref<!tpu.dma_semaphore, #tpu.memory_space<semaphore_mem>>)
    %dma_wait3A_193 = arith.constant 0 : i32
    %dma_wait3A_194 = arith.constant 0 : i32
    %dma_wait3A_195 = arith.constant 0 : i32
    %dma_wait3A_196 = tpu.memref_slice %arg13[%dma_wait3A_193, %dma_wait3A_195] : memref<8x32xf32, #tpu.memory_space<vmem>> -> memref<1x32xf32, #tpu.memory_space<vmem>>
    %dma_wait3A_197 = tpu.memref_squeeze %dma_wait3A_196 : memref<1x32xf32, #tpu.memory_space<vmem>> -> memref<32xf32, #tpu.memory_space<vmem>>
    %dma_wait3A_198 = tpu.memref_slice %arg11[%dma_wait3A_194, %mul3A_2] : memref<8x1024xf32, #tpu.memory_space<hbm>> -> memref<1x32xf32, #tpu.memory_space<hbm>>
    %dma_wait3A_199 = tpu.memref_squeeze %dma_wait3A_198 : memref<1x32xf32, #tpu.memory_space<hbm>> -> memref<32xf32, #tpu.memory_space<hbm>>
    %dma_wait3A_200 = tpu.memref_slice %arg11[%dma_wait3A_194, %mul3A_2] : memref<8x1024xf32, #tpu.memory_space<hbm>> -> memref<1x32xf32, #tpu.memory_space<hbm>>
    %dma_wait3A_201 = tpu.memref_squeeze %dma_wait3A_200 : memref<1x32xf32, #tpu.memory_space<hbm>> -> memref<32xf32, #tpu.memory_space<hbm>>
    %dma_wait3A_202 = arith.constant 0 : i32
    %dma_wait3A_203 = tpu.memref_slice %arg13[%dma_wait3A_193, %dma_wait3A_202] : memref<8x32xf32, #tpu.memory_space<vmem>> -> memref<1x32xf32, #tpu.memory_space<vmem>>
    %dma_wait3A_204 = tpu.memref_squeeze %dma_wait3A_203 : memref<1x32xf32, #tpu.memory_space<vmem>> -> memref<32xf32, #tpu.memory_space<vmem>>
    tpu.wait_dma2 semaphore(%arg14 : memref<!tpu.dma_semaphore, #tpu.memory_space<semaphore_mem>>) src(%dma_wait3A_204 : memref<32xf32, #tpu.memory_space<vmem>>) dst(%dma_wait3A_201 : memref<32xf32, #tpu.memory_space<hbm>>)
    %dma_wait3A_205 = arith.constant 1 : i32
    %dma_wait3A_206 = arith.constant 1 : i32
    %dma_wait3A_207 = arith.constant 0 : i32
    %dma_wait3A_208 = tpu.memref_slice %arg13[%dma_wait3A_205, %dma_wait3A_207] : memref<8x32xf32, #tpu.memory_space<vmem>> -> memref<1x32xf32, #tpu.memory_space<vmem>>
    %dma_wait3A_209 = tpu.memref_squeeze %dma_wait3A_208 : memref<1x32xf32, #tpu.memory_space<vmem>> -> memref<32xf32, #tpu.memory_space<vmem>>
    %dma_wait3A_210 = tpu.memref_slice %arg11[%dma_wait3A_206, %mul3A_2] : memref<8x1024xf32, #tpu.memory_space<hbm>> -> memref<1x32xf32, #tpu.memory_space<hbm>>
    %dma_wait3A_211 = tpu.memref_squeeze %dma_wait3A_210 : memref<1x32xf32, #tpu.memory_space<hbm>> -> memref<32xf32, #tpu.memory_space<hbm>>
    %dma_wait3A_212 = tpu.memref_slice %arg11[%dma_wait3A_206, %mul3A_2] : memref<8x1024xf32, #tpu.memory_space<hbm>> -> memref<1x32xf32, #tpu.memory_space<hbm>>
    %dma_wait3A_213 = tpu.memref_squeeze %dma_wait3A_212 : memref<1x32xf32, #tpu.memory_space<hbm>> -> memref<32xf32, #tpu.memory_space<hbm>>
    %dma_wait3A_214 = arith.constant 0 : i32
    %dma_wait3A_215 = tpu.memref_slice %arg13[%dma_wait3A_205, %dma_wait3A_214] : memref<8x32xf32, #tpu.memory_space<vmem>> -> memref<1x32xf32, #tpu.memory_space<vmem>>
    %dma_wait3A_216 = tpu.memref_squeeze %dma_wait3A_215 : memref<1x32xf32, #tpu.memory_space<vmem>> -> memref<32xf32, #tpu.memory_space<vmem>>
    tpu.wait_dma2 semaphore(%arg14 : memref<!tpu.dma_semaphore, #tpu.memory_space<semaphore_mem>>) src(%dma_wait3A_216 : memref<32xf32, #tpu.memory_space<vmem>>) dst(%dma_wait3A_213 : memref<32xf32, #tpu.memory_space<hbm>>)
    %dma_wait3A_217 = arith.constant 2 : i32
    %dma_wait3A_218 = arith.constant 2 : i32
    %dma_wait3A_219 = arith.constant 0 : i32
    %dma_wait3A_220 = tpu.memref_slice %arg13[%dma_wait3A_217, %dma_wait3A_219] : memref<8x32xf32, #tpu.memory_space<vmem>> -> memref<1x32xf32, #tpu.memory_space<vmem>>
    %dma_wait3A_221 = tpu.memref_squeeze %dma_wait3A_220 : memref<1x32xf32, #tpu.memory_space<vmem>> -> memref<32xf32, #tpu.memory_space<vmem>>
    %dma_wait3A_222 = tpu.memref_slice %arg11[%dma_wait3A_218, %mul3A_2] : memref<8x1024xf32, #tpu.memory_space<hbm>> -> memref<1x32xf32, #tpu.memory_space<hbm>>
    %dma_wait3A_223 = tpu.memref_squeeze %dma_wait3A_222 : memref<1x32xf32, #tpu.memory_space<hbm>> -> memref<32xf32, #tpu.memory_space<hbm>>
    %dma_wait3A_224 = tpu.memref_slice %arg11[%dma_wait3A_218, %mul3A_2] : memref<8x1024xf32, #tpu.memory_space<hbm>> -> memref<1x32xf32, #tpu.memory_space<hbm>>
    %dma_wait3A_225 = tpu.memref_squeeze %dma_wait3A_224 : memref<1x32xf32, #tpu.memory_space<hbm>> -> memref<32xf32, #tpu.memory_space<hbm>>
    %dma_wait3A_226 = arith.constant 0 : i32
    %dma_wait3A_227 = tpu.memref_slice %arg13[%dma_wait3A_217, %dma_wait3A_226] : memref<8x32xf32, #tpu.memory_space<vmem>> -> memref<1x32xf32, #tpu.memory_space<vmem>>
    %dma_wait3A_228 = tpu.memref_squeeze %dma_wait3A_227 : memref<1x32xf32, #tpu.memory_space<vmem>> -> memref<32xf32, #tpu.memory_space<vmem>>
    tpu.wait_dma2 semaphore(%arg14 : memref<!tpu.dma_semaphore, #tpu.memory_space<semaphore_mem>>) src(%dma_wait3A_228 : memref<32xf32, #tpu.memory_space<vmem>>) dst(%dma_wait3A_225 : memref<32xf32, #tpu.memory_space<hbm>>)
    %dma_wait3A_229 = arith.constant 3 : i32
    %dma_wait3A_230 = arith.constant 3 : i32
    %dma_wait3A_231 = arith.constant 0 : i32
    %dma_wait3A_232 = tpu.memref_slice %arg13[%dma_wait3A_229, %dma_wait3A_231] : memref<8x32xf32, #tpu.memory_space<vmem>> -> memref<1x32xf32, #tpu.memory_space<vmem>>
    %dma_wait3A_233 = tpu.memref_squeeze %dma_wait3A_232 : memref<1x32xf32, #tpu.memory_space<vmem>> -> memref<32xf32, #tpu.memory_space<vmem>>
    %dma_wait3A_234 = tpu.memref_slice %arg11[%dma_wait3A_230, %mul3A_2] : memref<8x1024xf32, #tpu.memory_space<hbm>> -> memref<1x32xf32, #tpu.memory_space<hbm>>
    %dma_wait3A_235 = tpu.memref_squeeze %dma_wait3A_234 : memref<1x32xf32, #tpu.memory_space<hbm>> -> memref<32xf32, #tpu.memory_space<hbm>>
    %dma_wait3A_236 = tpu.memref_slice %arg11[%dma_wait3A_230, %mul3A_2] : memref<8x1024xf32, #tpu.memory_space<hbm>> -> memref<1x32xf32, #tpu.memory_space<hbm>>
    %dma_wait3A_237 = tpu.memref_squeeze %dma_wait3A_236 : memref<1x32xf32, #tpu.memory_space<hbm>> -> memref<32xf32, #tpu.memory_space<hbm>>
    %dma_wait3A_238 = arith.constant 0 : i32
    %dma_wait3A_239 = tpu.memref_slice %arg13[%dma_wait3A_229, %dma_wait3A_238] : memref<8x32xf32, #tpu.memory_space<vmem>> -> memref<1x32xf32, #tpu.memory_space<vmem>>
    %dma_wait3A_240 = tpu.memref_squeeze %dma_wait3A_239 : memref<1x32xf32, #tpu.memory_space<vmem>> -> memref<32xf32, #tpu.memory_space<vmem>>
    tpu.wait_dma2 semaphore(%arg14 : memref<!tpu.dma_semaphore, #tpu.memory_space<semaphore_mem>>) src(%dma_wait3A_240 : memref<32xf32, #tpu.memory_space<vmem>>) dst(%dma_wait3A_237 : memref<32xf32, #tpu.memory_space<hbm>>)
    %dma_wait3A_241 = arith.constant 4 : i32
    %dma_wait3A_242 = arith.constant 4 : i32
    %dma_wait3A_243 = arith.constant 0 : i32
    %dma_wait3A_244 = tpu.memref_slice %arg13[%dma_wait3A_241, %dma_wait3A_243] : memref<8x32xf32, #tpu.memory_space<vmem>> -> memref<1x32xf32, #tpu.memory_space<vmem>>
    %dma_wait3A_245 = tpu.memref_squeeze %dma_wait3A_244 : memref<1x32xf32, #tpu.memory_space<vmem>> -> memref<32xf32, #tpu.memory_space<vmem>>
    %dma_wait3A_246 = tpu.memref_slice %arg11[%dma_wait3A_242, %mul3A_2] : memref<8x1024xf32, #tpu.memory_space<hbm>> -> memref<1x32xf32, #tpu.memory_space<hbm>>
    %dma_wait3A_247 = tpu.memref_squeeze %dma_wait3A_246 : memref<1x32xf32, #tpu.memory_space<hbm>> -> memref<32xf32, #tpu.memory_space<hbm>>
    %dma_wait3A_248 = tpu.memref_slice %arg11[%dma_wait3A_242, %mul3A_2] : memref<8x1024xf32, #tpu.memory_space<hbm>> -> memref<1x32xf32, #tpu.memory_space<hbm>>
    %dma_wait3A_249 = tpu.memref_squeeze %dma_wait3A_248 : memref<1x32xf32, #tpu.memory_space<hbm>> -> memref<32xf32, #tpu.memory_space<hbm>>
    %dma_wait3A_250 = arith.constant 0 : i32
    %dma_wait3A_251 = tpu.memref_slice %arg13[%dma_wait3A_241, %dma_wait3A_250] : memref<8x32xf32, #tpu.memory_space<vmem>> -> memref<1x32xf32, #tpu.memory_space<vmem>>
    %dma_wait3A_252 = tpu.memref_squeeze %dma_wait3A_251 : memref<1x32xf32, #tpu.memory_space<vmem>> -> memref<32xf32, #tpu.memory_space<vmem>>
    tpu.wait_dma2 semaphore(%arg14 : memref<!tpu.dma_semaphore, #tpu.memory_space<semaphore_mem>>) src(%dma_wait3A_252 : memref<32xf32, #tpu.memory_space<vmem>>) dst(%dma_wait3A_249 : memref<32xf32, #tpu.memory_space<hbm>>)
    %dma_wait3A_253 = arith.constant 5 : i32
    %dma_wait3A_254 = arith.constant 5 : i32
    %dma_wait3A_255 = arith.constant 0 : i32
    %dma_wait3A_256 = tpu.memref_slice %arg13[%dma_wait3A_253, %dma_wait3A_255] : memref<8x32xf32, #tpu.memory_space<vmem>> -> memref<1x32xf32, #tpu.memory_space<vmem>>
    %dma_wait3A_257 = tpu.memref_squeeze %dma_wait3A_256 : memref<1x32xf32, #tpu.memory_space<vmem>> -> memref<32xf32, #tpu.memory_space<vmem>>
    %dma_wait3A_258 = tpu.memref_slice %arg11[%dma_wait3A_254, %mul3A_2] : memref<8x1024xf32, #tpu.memory_space<hbm>> -> memref<1x32xf32, #tpu.memory_space<hbm>>
    %dma_wait3A_259 = tpu.memref_squeeze %dma_wait3A_258 : memref<1x32xf32, #tpu.memory_space<hbm>> -> memref<32xf32, #tpu.memory_space<hbm>>
    %dma_wait3A_260 = tpu.memref_slice %arg11[%dma_wait3A_254, %mul3A_2] : memref<8x1024xf32, #tpu.memory_space<hbm>> -> memref<1x32xf32, #tpu.memory_space<hbm>>
    %dma_wait3A_261 = tpu.memref_squeeze %dma_wait3A_260 : memref<1x32xf32, #tpu.memory_space<hbm>> -> memref<32xf32, #tpu.memory_space<hbm>>
    %dma_wait3A_262 = arith.constant 0 : i32
    %dma_wait3A_263 = tpu.memref_slice %arg13[%dma_wait3A_253, %dma_wait3A_262] : memref<8x32xf32, #tpu.memory_space<vmem>> -> memref<1x32xf32, #tpu.memory_space<vmem>>
    %dma_wait3A_264 = tpu.memref_squeeze %dma_wait3A_263 : memref<1x32xf32, #tpu.memory_space<vmem>> -> memref<32xf32, #tpu.memory_space<vmem>>
    tpu.wait_dma2 semaphore(%arg14 : memref<!tpu.dma_semaphore, #tpu.memory_space<semaphore_mem>>) src(%dma_wait3A_264 : memref<32xf32, #tpu.memory_space<vmem>>) dst(%dma_wait3A_261 : memref<32xf32, #tpu.memory_space<hbm>>)
    %dma_wait3A_265 = arith.constant 6 : i32
    %dma_wait3A_266 = arith.constant 6 : i32
    %dma_wait3A_267 = arith.constant 0 : i32
    %dma_wait3A_268 = tpu.memref_slice %arg13[%dma_wait3A_265, %dma_wait3A_267] : memref<8x32xf32, #tpu.memory_space<vmem>> -> memref<1x32xf32, #tpu.memory_space<vmem>>
    %dma_wait3A_269 = tpu.memref_squeeze %dma_wait3A_268 : memref<1x32xf32, #tpu.memory_space<vmem>> -> memref<32xf32, #tpu.memory_space<vmem>>
    %dma_wait3A_270 = tpu.memref_slice %arg11[%dma_wait3A_266, %mul3A_2] : memref<8x1024xf32, #tpu.memory_space<hbm>> -> memref<1x32xf32, #tpu.memory_space<hbm>>
    %dma_wait3A_271 = tpu.memref_squeeze %dma_wait3A_270 : memref<1x32xf32, #tpu.memory_space<hbm>> -> memref<32xf32, #tpu.memory_space<hbm>>
    %dma_wait3A_272 = tpu.memref_slice %arg11[%dma_wait3A_266, %mul3A_2] : memref<8x1024xf32, #tpu.memory_space<hbm>> -> memref<1x32xf32, #tpu.memory_space<hbm>>
    %dma_wait3A_273 = tpu.memref_squeeze %dma_wait3A_272 : memref<1x32xf32, #tpu.memory_space<hbm>> -> memref<32xf32, #tpu.memory_space<hbm>>
    %dma_wait3A_274 = arith.constant 0 : i32
    %dma_wait3A_275 = tpu.memref_slice %arg13[%dma_wait3A_265, %dma_wait3A_274] : memref<8x32xf32, #tpu.memory_space<vmem>> -> memref<1x32xf32, #tpu.memory_space<vmem>>
    %dma_wait3A_276 = tpu.memref_squeeze %dma_wait3A_275 : memref<1x32xf32, #tpu.memory_space<vmem>> -> memref<32xf32, #tpu.memory_space<vmem>>
    tpu.wait_dma2 semaphore(%arg14 : memref<!tpu.dma_semaphore, #tpu.memory_space<semaphore_mem>>) src(%dma_wait3A_276 : memref<32xf32, #tpu.memory_space<vmem>>) dst(%dma_wait3A_273 : memref<32xf32, #tpu.memory_space<hbm>>)
    %dma_wait3A_277 = arith.constant 7 : i32
    %dma_wait3A_278 = arith.constant 7 : i32
    %dma_wait3A_279 = arith.constant 0 : i32
    %dma_wait3A_280 = tpu.memref_slice %arg13[%dma_wait3A_277, %dma_wait3A_279] : memref<8x32xf32, #tpu.memory_space<vmem>> -> memref<1x32xf32, #tpu.memory_space<vmem>>
    %dma_wait3A_281 = tpu.memref_squeeze %dma_wait3A_280 : memref<1x32xf32, #tpu.memory_space<vmem>> -> memref<32xf32, #tpu.memory_space<vmem>>
    %dma_wait3A_282 = tpu.memref_slice %arg11[%dma_wait3A_278, %mul3A_2] : memref<8x1024xf32, #tpu.memory_space<hbm>> -> memref<1x32xf32, #tpu.memory_space<hbm>>
    %dma_wait3A_283 = tpu.memref_squeeze %dma_wait3A_282 : memref<1x32xf32, #tpu.memory_space<hbm>> -> memref<32xf32, #tpu.memory_space<hbm>>
    %dma_wait3A_284 = tpu.memref_slice %arg11[%dma_wait3A_278, %mul3A_2] : memref<8x1024xf32, #tpu.memory_space<hbm>> -> memref<1x32xf32, #tpu.memory_space<hbm>>
    %dma_wait3A_285 = tpu.memref_squeeze %dma_wait3A_284 : memref<1x32xf32, #tpu.memory_space<hbm>> -> memref<32xf32, #tpu.memory_space<hbm>>
    %dma_wait3A_286 = arith.constant 0 : i32
    %dma_wait3A_287 = tpu.memref_slice %arg13[%dma_wait3A_277, %dma_wait3A_286] : memref<8x32xf32, #tpu.memory_space<vmem>> -> memref<1x32xf32, #tpu.memory_space<vmem>>
    %dma_wait3A_288 = tpu.memref_squeeze %dma_wait3A_287 : memref<1x32xf32, #tpu.memory_space<vmem>> -> memref<32xf32, #tpu.memory_space<vmem>>
    tpu.wait_dma2 semaphore(%arg14 : memref<!tpu.dma_semaphore, #tpu.memory_space<semaphore_mem>>) src(%dma_wait3A_288 : memref<32xf32, #tpu.memory_space<vmem>>) dst(%dma_wait3A_285 : memref<32xf32, #tpu.memory_space<hbm>>)
    return
  }
}

module attributes {stable_mosaic.version = 14 : i64} {
  func.func @_dense_body(%arg0: memref<1024x256xf32, #tpu.memory_space<vmem>>, %arg1: memref<1024x256xf32, #tpu.memory_space<vmem>>, %arg2: memref<8x1024xf32, #tpu.memory_space<vmem>>, %arg3: memref<1x1024xi32, #tpu.memory_space<vmem>>, %arg4: memref<8x1024xf32, #tpu.memory_space<vmem>>, %arg5: memref<1x128xf32, #tpu.memory_space<vmem>>) attributes {dimension_semantics = [], scalar_prefetch = 0 : i64, scratch_operands = 0 : i64, tpu.core_type = #tpu.core_type<tc>} {
    %get3A = arith.constant 0 : index
    %get3A_0 = arith.constant 0 : index
    %get3A_1 = vector.load %arg0[%get3A, %get3A_0] : memref<1024x256xf32, #tpu.memory_space<vmem>>, vector<1024x256xf32>
    %get3A_2 = arith.constant 0 : index
    %get3A_3 = arith.constant 0 : index
    %get3A_4 = vector.load %arg1[%get3A_2, %get3A_3] : memref<1024x256xf32, #tpu.memory_space<vmem>>, vector<1024x256xf32>
    %mul3A = arith.mulf %get3A_1, %get3A_1 : vector<1024x256xf32>
    %reduce_sum3A = arith.constant dense<0.000000e+00> : vector<1024xf32>
    %reduce_sum3A_5 = vector.multi_reduction <add>, %mul3A, %reduce_sum3A [1] : vector<1024x256xf32> to vector<1024xf32>
    %broadcast_in_dim3A = vector.shape_cast %reduce_sum3A_5 : vector<1024xf32> to vector<1024x1xf32>
    %sqrt3A = math.sqrt %broadcast_in_dim3A : vector<1024x1xf32>
    %max3A = arith.constant 9.99999996E-13 : f32
    %max3A_6 = vector.broadcast %max3A : f32 to vector<1024x1xf32>
    %max3A_7 = arith.maximumf %sqrt3A, %max3A_6 : vector<1024x1xf32>
    %div3A = vector.broadcast %max3A_7 : vector<1024x1xf32> to vector<1024x256xf32>
    %div3A_8 = arith.divf %get3A_1, %div3A : vector<1024x256xf32>
    %mul3A_9 = arith.mulf %get3A_4, %get3A_4 : vector<1024x256xf32>
    %reduce_sum3A_10 = arith.constant dense<0.000000e+00> : vector<1024xf32>
    %reduce_sum3A_11 = vector.multi_reduction <add>, %mul3A_9, %reduce_sum3A_10 [1] : vector<1024x256xf32> to vector<1024xf32>
    %broadcast_in_dim3A_12 = vector.shape_cast %reduce_sum3A_11 : vector<1024xf32> to vector<1024x1xf32>
    %sqrt3A_13 = math.sqrt %broadcast_in_dim3A_12 : vector<1024x1xf32>
    %max3A_14 = arith.constant 9.99999996E-13 : f32
    %max3A_15 = vector.broadcast %max3A_14 : f32 to vector<1024x1xf32>
    %max3A_16 = arith.maximumf %sqrt3A_13, %max3A_15 : vector<1024x1xf32>
    %div3A_17 = vector.broadcast %max3A_16 : vector<1024x1xf32> to vector<1024x256xf32>
    %div3A_18 = arith.divf %get3A_4, %div3A_17 : vector<1024x256xf32>
    %dot_general3A = arith.constant dense<0.000000e+00> : vector<1024x1024xf32>
    %dot_general3A_19 = tpu.matmul %div3A_8, %div3A_18, %dot_general3A {dimension_numbers = #tpu.dot_dimension_numbers<[1], [1], [0], [0], [0, 0, 1, 0], [], []>, transpose_lhs_hint = false} : vector<1024x256xf32>, vector<1024x256xf32>, vector<1024x1024xf32> -> vector<1024x1024xf32>
    %dot_general3A_20 = arith.constant dense<0.000000e+00> : vector<1024x1024xf32>
    %dot_general3A_21 = tpu.matmul %div3A_18, %div3A_8, %dot_general3A_20 {dimension_numbers = #tpu.dot_dimension_numbers<[1], [1], [0], [0], [0, 0, 1, 0], [], []>, transpose_lhs_hint = false} : vector<1024x256xf32>, vector<1024x256xf32>, vector<1024x1024xf32> -> vector<1024x1024xf32>
    %iota3A = tpu.iota {dimensions = array<i32: 0>} : vector<1024x1024xi32>
    %iota3A_22 = tpu.iota {dimensions = array<i32: 1>} : vector<1024x1024xi32>
    %eq3A = arith.cmpi eq, %iota3A, %iota3A_22 : vector<1024x1024xi32>
    %jit3A = arith.constant 0.000000e+00 : f32
    %broadcast_in_dim3A_23 = vector.broadcast %jit3A : f32 to vector<1024x1024xf32>
    %select_n3A = arith.select %eq3A, %dot_general3A_19, %broadcast_in_dim3A_23 : vector<1024x1024xi1>, vector<1024x1024xf32>
    %reduce_sum3A_24 = arith.constant dense<0.000000e+00> : vector<1024xf32>
    %reduce_sum3A_25 = vector.multi_reduction <add>, %select_n3A, %reduce_sum3A_24 [1] : vector<1024x1024xf32> to vector<1024xf32>
    %broadcast_in_dim3A_26 = vector.shape_cast %reduce_sum3A_25 : vector<1024xf32> to vector<1024x1xf32>
    %iota3A_27 = tpu.iota {dimensions = array<i32: 0>} : vector<8x8xi32>
    %iota3A_28 = tpu.iota {dimensions = array<i32: 1>} : vector<8x8xi32>
    %eq3A_29 = arith.cmpi eq, %iota3A_27, %iota3A_28 : vector<8x8xi32>
    %jit3A_30 = arith.constant 1.000000e+00 : f32
    %jit3A_31 = arith.constant 0.000000e+00 : f32
    %broadcast_in_dim3A_32 = vector.broadcast %jit3A_30 : f32 to vector<8x8xf32>
    %broadcast_in_dim3A_33 = vector.broadcast %jit3A_31 : f32 to vector<8x8xf32>
    %select_n3A_34 = arith.select %eq3A_29, %broadcast_in_dim3A_32, %broadcast_in_dim3A_33 : vector<8x8xi1>, vector<8x8xf32>
    %get3A_35 = arith.constant 0 : index
    %get3A_36 = arith.constant 0 : index
    %get3A_37 = vector.load %arg2[%get3A_35, %get3A_36] : memref<8x1024xf32, #tpu.memory_space<vmem>>, vector<8x1024xf32>
    %dot_general3A_38 = arith.constant dense<0.000000e+00> : vector<1024x8xf32>
    %dot_general3A_39 = tpu.matmul %get3A_37, %select_n3A_34, %dot_general3A_38 {dimension_numbers = #tpu.dot_dimension_numbers<[0], [0], [1], [1], [0, 1, 1, 1], [], []>, precision = #tpu.contract_precision<fp32>, transpose_lhs_hint = false} : vector<8x1024xf32>, vector<8x8xf32>, vector<1024x8xf32> -> vector<1024x8xf32>
    %slice3A = vector.extract_strided_slice %dot_general3A_39 {offsets = [0, 0], sizes = [1024, 1], strides = [1, 1]} : vector<1024x8xf32> to vector<1024x1xf32>
    %slice3A_40 = vector.extract_strided_slice %dot_general3A_39 {offsets = [0, 1], sizes = [1024, 1], strides = [1, 1]} : vector<1024x8xf32> to vector<1024x1xf32>
    %slice3A_41 = vector.extract_strided_slice %dot_general3A_39 {offsets = [0, 2], sizes = [1024, 1], strides = [1, 1]} : vector<1024x8xf32> to vector<1024x1xf32>
    %slice3A_42 = vector.extract_strided_slice %dot_general3A_39 {offsets = [0, 3], sizes = [1024, 1], strides = [1, 1]} : vector<1024x8xf32> to vector<1024x1xf32>
    %slice3A_43 = vector.extract_strided_slice %dot_general3A_39 {offsets = [0, 4], sizes = [1024, 1], strides = [1, 1]} : vector<1024x8xf32> to vector<1024x1xf32>
    %slice3A_44 = vector.extract_strided_slice %dot_general3A_39 {offsets = [0, 5], sizes = [1024, 1], strides = [1, 1]} : vector<1024x8xf32> to vector<1024x1xf32>
    %slice3A_45 = vector.extract_strided_slice %dot_general3A_39 {offsets = [0, 6], sizes = [1024, 1], strides = [1, 1]} : vector<1024x8xf32> to vector<1024x1xf32>
    %slice3A_46 = vector.extract_strided_slice %dot_general3A_39 {offsets = [0, 7], sizes = [1024, 1], strides = [1, 1]} : vector<1024x8xf32> to vector<1024x1xf32>
    %div3A_47 = arith.constant 1.000000e+00 : f32
    %div3A_48 = vector.broadcast %div3A_47 : f32 to vector<1024x1xf32>
    %div3A_49 = arith.divf %div3A_48, %slice3A_43 : vector<1024x1xf32>
    %reduce_max3A = arith.constant dense<0xFF800000> : vector<1024xf32>
    %reduce_max3A_50 = vector.multi_reduction <maximumf>, %dot_general3A_19, %reduce_max3A [1] : vector<1024x1024xf32> to vector<1024xf32>
    %broadcast_in_dim3A_51 = vector.shape_cast %reduce_max3A_50 : vector<1024xf32> to vector<1024x1xf32>
    %sub3A = arith.subf %broadcast_in_dim3A_51, %broadcast_in_dim3A_26 : vector<1024x1xf32>
    %mul3A_52 = arith.mulf %sub3A, %div3A_49 : vector<1024x1xf32>
    %max3A_53 = arith.maximumf %mul3A_52, %slice3A_41 : vector<1024x1xf32>
    %mul3A_54 = arith.mulf %div3A_49, %broadcast_in_dim3A_26 : vector<1024x1xf32>
    %add3A = arith.addf %mul3A_54, %max3A_53 : vector<1024x1xf32>
    %mul3A_55 = vector.broadcast %div3A_49 : vector<1024x1xf32> to vector<1024x1024xf32>
    %mul3A_56 = arith.mulf %dot_general3A_19, %mul3A_55 : vector<1024x1024xf32>
    %sub3A_57 = vector.broadcast %add3A : vector<1024x1xf32> to vector<1024x1024xf32>
    %sub3A_58 = arith.subf %mul3A_56, %sub3A_57 : vector<1024x1024xf32>
    %exp3A = math.exp %sub3A_58 : vector<1024x1024xf32>
    %jit3A_59 = arith.constant 0.000000e+00 : f32
    %broadcast_in_dim3A_60 = vector.broadcast %jit3A_59 : f32 to vector<1024x1024xf32>
    %select_n3A_61 = arith.select %eq3A, %broadcast_in_dim3A_60, %exp3A : vector<1024x1024xi1>, vector<1024x1024xf32>
    %reduce_sum3A_62 = arith.constant dense<0.000000e+00> : vector<1024xf32>
    %reduce_sum3A_63 = vector.multi_reduction <add>, %select_n3A_61, %reduce_sum3A_62 [1] : vector<1024x1024xf32> to vector<1024xf32>
    %broadcast_in_dim3A_64 = vector.shape_cast %reduce_sum3A_63 : vector<1024xf32> to vector<1024x1xf32>
    %mul3A_65 = arith.mulf %select_n3A_61, %dot_general3A_19 : vector<1024x1024xf32>
    %reduce_sum3A_66 = arith.constant dense<0.000000e+00> : vector<1024xf32>
    %reduce_sum3A_67 = vector.multi_reduction <add>, %mul3A_65, %reduce_sum3A_66 [1] : vector<1024x1024xf32> to vector<1024xf32>
    %broadcast_in_dim3A_68 = vector.shape_cast %reduce_sum3A_67 : vector<1024xf32> to vector<1024x1xf32>
    %mul3A_69 = arith.mulf %broadcast_in_dim3A_26, %broadcast_in_dim3A_64 : vector<1024x1xf32>
    %sub3A_70 = arith.subf %broadcast_in_dim3A_68, %mul3A_69 : vector<1024x1xf32>
    %mul3A_71 = arith.mulf %sub3A_70, %div3A_49 : vector<1024x1xf32>
    %mul3A_72 = arith.constant 2.000000e-01 : f32
    %mul3A_73 = vector.broadcast %mul3A_72 : f32 to vector<1024x1xf32>
    %mul3A_74 = arith.mulf %mul3A_73, %slice3A : vector<1024x1xf32>
    %sub3A_75 = arith.subf %slice3A_41, %max3A_53 : vector<1024x1xf32>
    %exp3A_76 = math.exp %sub3A_75 : vector<1024x1xf32>
    %mul3A_77 = arith.mulf %mul3A_74, %exp3A_76 : vector<1024x1xf32>
    %mul3A_78 = arith.constant 8.000000e-01 : f32
    %mul3A_79 = vector.broadcast %mul3A_78 : f32 to vector<1024x1xf32>
    %mul3A_80 = arith.mulf %mul3A_79, %broadcast_in_dim3A_64 : vector<1024x1xf32>
    %add3A_81 = arith.addf %mul3A_77, %mul3A_80 : vector<1024x1xf32>
    %max3A_82 = arith.constant 9.99999982E-15 : f32
    %max3A_83 = vector.broadcast %max3A_82 : f32 to vector<1024x1xf32>
    %max3A_84 = arith.maximumf %add3A_81, %max3A_83 : vector<1024x1xf32>
    %div3A_85 = arith.divf %sub3A_70, %max3A_84 : vector<1024x1xf32>
    %log3A = math.log %max3A_84 : vector<1024x1xf32>
    %add3A_86 = arith.addf %log3A, %max3A_53 : vector<1024x1xf32>
    %add3A_87 = arith.constant 8.000000e+00 : f32
    %add3A_88 = vector.broadcast %add3A_87 : f32 to vector<1024x1xf32>
    %add3A_89 = arith.addf %add3A_86, %add3A_88 : vector<1024x1xf32>
    %div3A_90 = arith.divf %mul3A_71, %max3A_84 : vector<1024x1xf32>
    %div3A_91 = arith.constant 1.023000e+03 : f32
    %div3A_92 = vector.broadcast %div3A_91 : f32 to vector<1024x1xf32>
    %div3A_93 = arith.divf %div3A_90, %div3A_92 : vector<1024x1xf32>
    %sub3A_94 = arith.subf %add3A_89, %div3A_93 : vector<1024x1xf32>
    %mul3A_95 = arith.constant 1.000000e-01 : f32
    %mul3A_96 = vector.broadcast %mul3A_95 : f32 to vector<1024x1xf32>
    %mul3A_97 = arith.mulf %mul3A_96, %slice3A_45 : vector<1024x1xf32>
    %jit3A_98 = arith.constant -5.000000e+00 : f32
    %jit3A_99 = arith.constant 5.000000e+00 : f32
    %max3A_100 = vector.broadcast %jit3A_98 : f32 to vector<1024x1xf32>
    %max3A_101 = arith.maximumf %max3A_100, %sub3A_94 : vector<1024x1xf32>
    %min3A = vector.broadcast %jit3A_99 : f32 to vector<1024x1xf32>
    %min3A_102 = arith.minimumf %min3A, %max3A_101 : vector<1024x1xf32>
    %mul3A_103 = arith.constant 0.899999976 : f32
    %mul3A_104 = vector.broadcast %mul3A_103 : f32 to vector<1024x1xf32>
    %mul3A_105 = arith.mulf %mul3A_104, %min3A_102 : vector<1024x1xf32>
    %add3A_106 = arith.addf %mul3A_97, %mul3A_105 : vector<1024x1xf32>
    %mul3A_107 = arith.constant 0.00999999977 : f32
    %mul3A_108 = vector.broadcast %mul3A_107 : f32 to vector<1024x1xf32>
    %mul3A_109 = arith.mulf %mul3A_108, %add3A_106 : vector<1024x1xf32>
    %sub3A_110 = arith.subf %slice3A_43, %mul3A_109 : vector<1024x1xf32>
    %jit3A_111 = arith.constant 1.000000e-03 : f32
    %jit3A_112 = arith.constant 1.000000e+00 : f32
    %max3A_113 = vector.broadcast %jit3A_111 : f32 to vector<1024x1xf32>
    %max3A_114 = arith.maximumf %max3A_113, %sub3A_110 : vector<1024x1xf32>
    %min3A_115 = vector.broadcast %jit3A_112 : f32 to vector<1024x1xf32>
    %min3A_116 = arith.minimumf %min3A_115, %max3A_114 : vector<1024x1xf32>
    %div3A_117 = arith.constant 1.000000e+00 : f32
    %div3A_118 = vector.broadcast %div3A_117 : f32 to vector<1024x1xf32>
    %div3A_119 = arith.divf %div3A_118, %slice3A_44 : vector<1024x1xf32>
    %reduce_max3A_120 = arith.constant dense<0xFF800000> : vector<1024xf32>
    %reduce_max3A_121 = vector.multi_reduction <maximumf>, %dot_general3A_21, %reduce_max3A_120 [1] : vector<1024x1024xf32> to vector<1024xf32>
    %broadcast_in_dim3A_122 = vector.shape_cast %reduce_max3A_121 : vector<1024xf32> to vector<1024x1xf32>
    %sub3A_123 = arith.subf %broadcast_in_dim3A_122, %broadcast_in_dim3A_26 : vector<1024x1xf32>
    %mul3A_124 = arith.mulf %sub3A_123, %div3A_119 : vector<1024x1xf32>
    %max3A_125 = arith.maximumf %mul3A_124, %slice3A_42 : vector<1024x1xf32>
    %mul3A_126 = arith.mulf %div3A_119, %broadcast_in_dim3A_26 : vector<1024x1xf32>
    %add3A_127 = arith.addf %mul3A_126, %max3A_125 : vector<1024x1xf32>
    %mul3A_128 = vector.broadcast %div3A_119 : vector<1024x1xf32> to vector<1024x1024xf32>
    %mul3A_129 = arith.mulf %dot_general3A_21, %mul3A_128 : vector<1024x1024xf32>
    %sub3A_130 = vector.broadcast %add3A_127 : vector<1024x1xf32> to vector<1024x1024xf32>
    %sub3A_131 = arith.subf %mul3A_129, %sub3A_130 : vector<1024x1024xf32>
    %exp3A_132 = math.exp %sub3A_131 : vector<1024x1024xf32>
    %jit3A_133 = arith.constant 0.000000e+00 : f32
    %broadcast_in_dim3A_134 = vector.broadcast %jit3A_133 : f32 to vector<1024x1024xf32>
    %select_n3A_135 = arith.select %eq3A, %broadcast_in_dim3A_134, %exp3A_132 : vector<1024x1024xi1>, vector<1024x1024xf32>
    %reduce_sum3A_136 = arith.constant dense<0.000000e+00> : vector<1024xf32>
    %reduce_sum3A_137 = vector.multi_reduction <add>, %select_n3A_135, %reduce_sum3A_136 [1] : vector<1024x1024xf32> to vector<1024xf32>
    %broadcast_in_dim3A_138 = vector.shape_cast %reduce_sum3A_137 : vector<1024xf32> to vector<1024x1xf32>
    %mul3A_139 = arith.mulf %select_n3A_135, %dot_general3A_21 : vector<1024x1024xf32>
    %reduce_sum3A_140 = arith.constant dense<0.000000e+00> : vector<1024xf32>
    %reduce_sum3A_141 = vector.multi_reduction <add>, %mul3A_139, %reduce_sum3A_140 [1] : vector<1024x1024xf32> to vector<1024xf32>
    %broadcast_in_dim3A_142 = vector.shape_cast %reduce_sum3A_141 : vector<1024xf32> to vector<1024x1xf32>
    %mul3A_143 = arith.mulf %broadcast_in_dim3A_26, %broadcast_in_dim3A_138 : vector<1024x1xf32>
    %sub3A_144 = arith.subf %broadcast_in_dim3A_142, %mul3A_143 : vector<1024x1xf32>
    %mul3A_145 = arith.mulf %sub3A_144, %div3A_119 : vector<1024x1xf32>
    %mul3A_146 = arith.constant 2.000000e-01 : f32
    %mul3A_147 = vector.broadcast %mul3A_146 : f32 to vector<1024x1xf32>
    %mul3A_148 = arith.mulf %mul3A_147, %slice3A_40 : vector<1024x1xf32>
    %sub3A_149 = arith.subf %slice3A_42, %max3A_125 : vector<1024x1xf32>
    %exp3A_150 = math.exp %sub3A_149 : vector<1024x1xf32>
    %mul3A_151 = arith.mulf %mul3A_148, %exp3A_150 : vector<1024x1xf32>
    %mul3A_152 = arith.constant 8.000000e-01 : f32
    %mul3A_153 = vector.broadcast %mul3A_152 : f32 to vector<1024x1xf32>
    %mul3A_154 = arith.mulf %mul3A_153, %broadcast_in_dim3A_138 : vector<1024x1xf32>
    %add3A_155 = arith.addf %mul3A_151, %mul3A_154 : vector<1024x1xf32>
    %max3A_156 = arith.constant 9.99999982E-15 : f32
    %max3A_157 = vector.broadcast %max3A_156 : f32 to vector<1024x1xf32>
    %max3A_158 = arith.maximumf %add3A_155, %max3A_157 : vector<1024x1xf32>
    %div3A_159 = arith.divf %sub3A_144, %max3A_158 : vector<1024x1xf32>
    %log3A_160 = math.log %max3A_158 : vector<1024x1xf32>
    %add3A_161 = arith.addf %log3A_160, %max3A_125 : vector<1024x1xf32>
    %add3A_162 = arith.constant 8.000000e+00 : f32
    %add3A_163 = vector.broadcast %add3A_162 : f32 to vector<1024x1xf32>
    %add3A_164 = arith.addf %add3A_161, %add3A_163 : vector<1024x1xf32>
    %div3A_165 = arith.divf %mul3A_145, %max3A_158 : vector<1024x1xf32>
    %div3A_166 = arith.constant 1.023000e+03 : f32
    %div3A_167 = vector.broadcast %div3A_166 : f32 to vector<1024x1xf32>
    %div3A_168 = arith.divf %div3A_165, %div3A_167 : vector<1024x1xf32>
    %sub3A_169 = arith.subf %add3A_164, %div3A_168 : vector<1024x1xf32>
    %mul3A_170 = arith.constant 1.000000e-01 : f32
    %mul3A_171 = vector.broadcast %mul3A_170 : f32 to vector<1024x1xf32>
    %mul3A_172 = arith.mulf %mul3A_171, %slice3A_46 : vector<1024x1xf32>
    %jit3A_173 = arith.constant -5.000000e+00 : f32
    %jit3A_174 = arith.constant 5.000000e+00 : f32
    %max3A_175 = vector.broadcast %jit3A_173 : f32 to vector<1024x1xf32>
    %max3A_176 = arith.maximumf %max3A_175, %sub3A_169 : vector<1024x1xf32>
    %min3A_177 = vector.broadcast %jit3A_174 : f32 to vector<1024x1xf32>
    %min3A_178 = arith.minimumf %min3A_177, %max3A_176 : vector<1024x1xf32>
    %mul3A_179 = arith.constant 0.899999976 : f32
    %mul3A_180 = vector.broadcast %mul3A_179 : f32 to vector<1024x1xf32>
    %mul3A_181 = arith.mulf %mul3A_180, %min3A_178 : vector<1024x1xf32>
    %add3A_182 = arith.addf %mul3A_172, %mul3A_181 : vector<1024x1xf32>
    %mul3A_183 = arith.constant 0.00999999977 : f32
    %mul3A_184 = vector.broadcast %mul3A_183 : f32 to vector<1024x1xf32>
    %mul3A_185 = arith.mulf %mul3A_184, %add3A_182 : vector<1024x1xf32>
    %sub3A_186 = arith.subf %slice3A_44, %mul3A_185 : vector<1024x1xf32>
    %jit3A_187 = arith.constant 1.000000e-03 : f32
    %jit3A_188 = arith.constant 1.000000e+00 : f32
    %max3A_189 = vector.broadcast %jit3A_187 : f32 to vector<1024x1xf32>
    %max3A_190 = arith.maximumf %max3A_189, %sub3A_186 : vector<1024x1xf32>
    %min3A_191 = vector.broadcast %jit3A_188 : f32 to vector<1024x1xf32>
    %min3A_192 = arith.minimumf %min3A_191, %max3A_190 : vector<1024x1xf32>
    %reduce_sum3A_193 = vector.shape_cast %div3A_85 : vector<1024x1xf32> to vector<1x1024x1xf32>
    %reduce_sum3A_194 = arith.constant dense<0.000000e+00> : vector<1xf32>
    %reduce_sum3A_195 = vector.multi_reduction <add>, %reduce_sum3A_193, %reduce_sum3A_194 [1, 2] : vector<1x1024x1xf32> to vector<1xf32>
    %reduce_sum3A_196 = vector.shape_cast %reduce_sum3A_195 : vector<1xf32> to vector<1x1x1xf32>
    %reduce_sum3A_197 = vector.extract %reduce_sum3A_196[0, 0, 0] : f32 from vector<1x1x1xf32>
    %div3A_198 = arith.constant 1.024000e+03 : f32
    %div3A_199 = arith.divf %reduce_sum3A_197, %div3A_198 : f32
    %mul3A_200 = arith.constant 5.000000e-01 : f32
    %mul3A_201 = arith.mulf %mul3A_200, %div3A_199 : f32
    %reduce_sum3A_202 = vector.shape_cast %div3A_159 : vector<1024x1xf32> to vector<1x1024x1xf32>
    %reduce_sum3A_203 = arith.constant dense<0.000000e+00> : vector<1xf32>
    %reduce_sum3A_204 = vector.multi_reduction <add>, %reduce_sum3A_202, %reduce_sum3A_203 [1, 2] : vector<1x1024x1xf32> to vector<1xf32>
    %reduce_sum3A_205 = vector.shape_cast %reduce_sum3A_204 : vector<1xf32> to vector<1x1x1xf32>
    %reduce_sum3A_206 = vector.extract %reduce_sum3A_205[0, 0, 0] : f32 from vector<1x1x1xf32>
    %div3A_207 = arith.constant 1.024000e+03 : f32
    %div3A_208 = arith.divf %reduce_sum3A_206, %div3A_207 : f32
    %mul3A_209 = arith.constant 5.000000e-01 : f32
    %mul3A_210 = arith.mulf %mul3A_209, %div3A_208 : f32
    %add3A_211 = arith.addf %mul3A_201, %mul3A_210 : f32
    %reduce_sum3A_212 = vector.shape_cast %slice3A_43 : vector<1024x1xf32> to vector<1x1024x1xf32>
    %reduce_sum3A_213 = arith.constant dense<0.000000e+00> : vector<1xf32>
    %reduce_sum3A_214 = vector.multi_reduction <add>, %reduce_sum3A_212, %reduce_sum3A_213 [1, 2] : vector<1x1024x1xf32> to vector<1xf32>
    %reduce_sum3A_215 = vector.shape_cast %reduce_sum3A_214 : vector<1xf32> to vector<1x1x1xf32>
    %reduce_sum3A_216 = vector.extract %reduce_sum3A_215[0, 0, 0] : f32 from vector<1x1x1xf32>
    %div3A_217 = arith.constant 1.024000e+03 : f32
    %div3A_218 = arith.divf %reduce_sum3A_216, %div3A_217 : f32
    %reduce_sum3A_219 = vector.shape_cast %slice3A_44 : vector<1024x1xf32> to vector<1x1024x1xf32>
    %reduce_sum3A_220 = arith.constant dense<0.000000e+00> : vector<1xf32>
    %reduce_sum3A_221 = vector.multi_reduction <add>, %reduce_sum3A_219, %reduce_sum3A_220 [1, 2] : vector<1x1024x1xf32> to vector<1xf32>
    %reduce_sum3A_222 = vector.shape_cast %reduce_sum3A_221 : vector<1xf32> to vector<1x1x1xf32>
    %reduce_sum3A_223 = vector.extract %reduce_sum3A_222[0, 0, 0] : f32 from vector<1x1x1xf32>
    %div3A_224 = arith.constant 1.024000e+03 : f32
    %div3A_225 = arith.divf %reduce_sum3A_223, %div3A_224 : f32
    %get3A_226 = arith.constant 0 : index
    %get3A_227 = arith.constant 0 : index
    %get3A_228 = vector.load %arg3[%get3A_226, %get3A_227] : memref<1x1024xi32, #tpu.memory_space<vmem>>, vector<1x1024xi32>
    %convert_element_type3A = arith.sitofp %get3A_228 : vector<1x1024xi32> to vector<1x1024xf32>
    %broadcast_in_dim3A_229 = arith.constant 1.000000e+00 : f32
    %broadcast_in_dim3A_230 = vector.broadcast %broadcast_in_dim3A_229 : f32 to vector<1x1xf32>
    %dot_general3A_231 = arith.constant dense<0.000000e+00> : vector<1024x1xf32>
    %dot_general3A_232 = tpu.matmul %convert_element_type3A, %broadcast_in_dim3A_230, %dot_general3A_231 {dimension_numbers = #tpu.dot_dimension_numbers<[0], [0], [1], [1], [0, 1, 1, 1], [], []>, precision = #tpu.contract_precision<fp32>, transpose_lhs_hint = false} : vector<1x1024xf32>, vector<1x1xf32>, vector<1024x1xf32> -> vector<1024x1xf32>
    %eq3A_233 = vector.broadcast %dot_general3A_232 : vector<1024x1xf32> to vector<1024x1024xf32>
    %eq3A_234 = vector.broadcast %convert_element_type3A : vector<1x1024xf32> to vector<1024x1024xf32>
    %eq3A_235 = arith.cmpf oeq, %eq3A_233, %eq3A_234 : vector<1024x1024xf32>
    %jit3A_236 = arith.constant -1 : i32
    %broadcast_in_dim3A_237 = vector.broadcast %jit3A_236 : i32 to vector<1024x1024xi32>
    %select_n3A_238 = arith.select %eq3A_235, %iota3A_22, %broadcast_in_dim3A_237 : vector<1024x1024xi1>, vector<1024x1024xi32>
    %reduce_max3A_239 = arith.constant dense<-2147483648> : vector<1024xi32>
    %reduce_max3A_240 = vector.multi_reduction <maxsi>, %select_n3A_238, %reduce_max3A_239 [1] : vector<1024x1024xi32> to vector<1024xi32>
    %broadcast_in_dim3A_241 = vector.shape_cast %reduce_max3A_240 : vector<1024xi32> to vector<1024x1xi32>
    %eq3A_242 = vector.broadcast %broadcast_in_dim3A_241 : vector<1024x1xi32> to vector<1024x1024xi32>
    %eq3A_243 = arith.cmpi eq, %iota3A_22, %eq3A_242 : vector<1024x1024xi32>
    %jit3A_244 = arith.constant 1.000000e+00 : f32
    %jit3A_245 = arith.constant 0.000000e+00 : f32
    %broadcast_in_dim3A_246 = vector.broadcast %jit3A_244 : f32 to vector<1024x1024xf32>
    %broadcast_in_dim3A_247 = vector.broadcast %jit3A_245 : f32 to vector<1024x1024xf32>
    %select_n3A_248 = arith.select %eq3A_243, %broadcast_in_dim3A_246, %broadcast_in_dim3A_247 : vector<1024x1024xi1>, vector<1024x1024xf32>
    %concatenate3A = tpu.concatenate %add3A_81, %add3A_155, %max3A_53, %max3A_125, %min3A_116, %min3A_192, %add3A_106, %add3A_182 in 1 : vector<1024x1xf32>, vector<1024x1xf32>, vector<1024x1xf32>, vector<1024x1xf32>, vector<1024x1xf32>, vector<1024x1xf32>, vector<1024x1xf32>, vector<1024x1xf32> -> vector<1024x8xf32>
    %dot_general3A_249 = arith.constant dense<0.000000e+00> : vector<8x1024xf32>
    %dot_general3A_250 = tpu.matmul %concatenate3A, %select_n3A_248, %dot_general3A_249 {dimension_numbers = #tpu.dot_dimension_numbers<[0], [1], [1], [0], [0, 1, 1, 0], [], []>, precision = #tpu.contract_precision<fp32>, transpose_lhs_hint = false} : vector<1024x8xf32>, vector<1024x1024xf32>, vector<8x1024xf32> -> vector<8x1024xf32>
    %swap3A = arith.constant 0 : index
    %swap3A_251 = arith.constant 0 : index
    %swap3A_252 = vector.load %arg4[%swap3A, %swap3A_251] : memref<8x1024xf32, #tpu.memory_space<vmem>>, vector<8x1024xf32>
    tpu.vector_store %arg4[%swap3A, %swap3A_251], %dot_general3A_250 {strides = array<i32>} : memref<8x1024xf32, #tpu.memory_space<vmem>>, vector<8x1024xf32>,
    %iota3A_253 = tpu.iota {dimensions = array<i32: 1>} : vector<1x128xi32>
    %eq3A_254 = arith.constant 0 : i32
    %eq3A_255 = vector.broadcast %eq3A_254 : i32 to vector<1x128xi32>
    %eq3A_256 = arith.cmpi eq, %iota3A_253, %eq3A_255 : vector<1x128xi32>
    %eq3A_257 = arith.constant 1 : i32
    %eq3A_258 = vector.broadcast %eq3A_257 : i32 to vector<1x128xi32>
    %eq3A_259 = arith.cmpi eq, %iota3A_253, %eq3A_258 : vector<1x128xi32>
    %eq3A_260 = arith.constant 2 : i32
    %eq3A_261 = vector.broadcast %eq3A_260 : i32 to vector<1x128xi32>
    %eq3A_262 = arith.cmpi eq, %iota3A_253, %eq3A_261 : vector<1x128xi32>
    %jit3A_263 = arith.constant 0.000000e+00 : f32
    %broadcast_in_dim3A_264 = vector.broadcast %div3A_225 : f32 to vector<1x128xf32>
    %broadcast_in_dim3A_265 = vector.broadcast %jit3A_263 : f32 to vector<1x128xf32>
    %select_n3A_266 = arith.select %eq3A_262, %broadcast_in_dim3A_264, %broadcast_in_dim3A_265 : vector<1x128xi1>, vector<1x128xf32>
    %broadcast_in_dim3A_267 = vector.broadcast %div3A_218 : f32 to vector<1x128xf32>
    %select_n3A_268 = arith.select %eq3A_259, %broadcast_in_dim3A_267, %select_n3A_266 : vector<1x128xi1>, vector<1x128xf32>
    %broadcast_in_dim3A_269 = vector.broadcast %add3A_211 : f32 to vector<1x128xf32>
    %select_n3A_270 = arith.select %eq3A_256, %broadcast_in_dim3A_269, %select_n3A_268 : vector<1x128xi1>, vector<1x128xf32>
    %swap3A_271 = arith.constant 0 : index
    %swap3A_272 = arith.constant 0 : index
    %swap3A_273 = vector.load %arg5[%swap3A_271, %swap3A_272] : memref<1x128xf32, #tpu.memory_space<vmem>>, vector<1x128xf32>
    tpu.vector_store %arg5[%swap3A_271, %swap3A_272], %select_n3A_270 {strides = array<i32>} : memref<1x128xf32, #tpu.memory_space<vmem>>, vector<1x128xf32>,
    return
  }
}

</mosaic_0001>

<sc_bundles>
// kernel: kernel.5.cloned.1.call-start
scs
__scs_entry_jumppad:
0x0: {  	(pc) =	sbr.rel $0x88, $3  }
0x1: {  	(tag) =	ssettag $0x0;
	lr =	simm.s32 $0x1  }
0x2: {  	[smem:$0x3F96] =	sst lr;
	_ =	strace $0xD0000000  }
0x3: {  	_ = 	snop  }
0x4: {  	_ = 	snop  }
0x5: {  	_ = 	snop  }
0x6: {  	_ = 	snop  }
0x7: {  	_ = 	snop  }
__scs_overlays_trampoline_lowered:
0x8: {  	[smem:$0x3FA5] =	sst s0  }
0x9: {  	[smem:$0x3FA6] =	sst s1  }
0xa: {  	[smem:$0x3FA7] =	sst s2  }
0xb: {  	[smem:$0x3FA8] =	sst s3  }
0xc: {  	[smem:$0x3FA9] =	sst s4  }
0xd: {  	[smem:$0x3FAA] =	sst s5  }
0xe: {  	[smem:$0x3FAB] =	sst s6  }
0xf: {  	[smem:$0x3FAC] =	sst s7  }
0x10: {  	[smem:$0x3FAD] =	sst s8  }
0x11: {  	[smem:$0x3FAE] =	sst s9;
	s0 =	simm.s32 @!p0 $0x0  }
0x12: {  	s1 =	sld [smem:$0x3F94];
	s0 =	simm.s32 @p0 $0x1  }
0x13: {  	[smem:$0x3FAF] =	sst s0;
	s0 =	simm.s32 @!p1 $0x0  }
0x14: {  	s2 =	sld [smem:$0x3F93];
	s0 =	simm.s32 @p1 $0x1  }
0x15: {  	[smem:$0x3FB0] =	sst s0;
	s0 =	simm.s32 @!p2 $0x0  }
0x16: {  	s3 =	sld [smem:$0x3FDB];
	s0 =	simm.s32 @p2 $0x1  }
0x17: {  	s4 =	simm.s32 $0x1BF5;
	[smem:$0x3FB2] =	sst s0  }
0x18: {  	s0 =	sld [smem:$0x3F95];
	_ =	swait.ge [sflag:s4], $0x0  }
0x19: {  	s7 =	sld [smem:$0x3F96]  }
0x1a: {  	s8 =	sadd.s32 $0xFFFFE003, lr  }
0x1b: {  	s9 =	sadd.s32 $0xFFFFFEF7, lr;
	s5 =	simm.s32 $0xFFFFFFFF;
	p2 =	slt.u32 s8, $0xFFFFF086  }
0x1c: {  	p1 =	slt.u32 s9, $0xF7A;
	s5 =	simm.s32 @!p2 $0x0  }
0x1d: {  	s5 =	simm.s32 @p1 $0x1;
	p0 =	seq.s32 s7, s2  }
0x1e: {  	s7 =	smul.u32 @!p0 $0xF7A, s2;
	p2 =	seq.s32 @!p0 s5, $0x0  }
0x1f: {  	s9 =	smul.u32 $0xF7A, s1;
	s8 =	simm.s32 @!p0 $0x1BF5;
	p2 =	por !p2, p0  }
0x20: {  	[sflag:s8] =	ssyncset.s32 @!p0 $0xFFFFF086;
	s6 =	sadd.s32 @!p0 s3, s7;
	s7 =	simm.s32 @!p0 $0x108  }
0x21: {  	s3 =	sadd.s32 s3, s9;
	s6 =	sadd.s32 @!p0 $0x88, s6;
	s7 =	simm.s32 @p2 $0x1082  }
0x22: {  	[simem:s7], [sflag:s8] =	dma.local @!p0 [hbm:s6], $0xF7A  }
0x23: {  	s9 =	sor.u32 $0xD0000000, s2;
	s6 =	simm.s32 $0x108;
	_ =	swait.ge @!p0 [sflag:s8], $0x0  }
0x24: {  	s3 =	sadd.s32 $0x88, s3;
	s6 =	simm.s32 @!p1 $0x1082;
	[sflag:s4] =	ssyncset.s32 $0xFFFFF086  }
0x25: {  	[simem:s6], [sflag:s4] =	dma.local [hbm:s3], $0xF7A  }
0x26: {  	[smem:$0x3F96] =	sst s1;
	(tag) =	ssettag s2;
	_ =	strace s9  }
0x27: {  	s1 =	sld [smem:$0x3FA6]  }
0x28: {  	s2 =	sld [smem:$0x3FA7]  }
0x29: {  	s4 =	sld [smem:$0x3FA9]  }
0x2a: {  	p0 =	seq.s32 s5, $0x0;
	s5 =	sld [smem:$0x3FAA]  }
0x2b: {  	s6 =	sld [smem:$0x3FAB]  }
0x2c: {  	s7 =	sld [smem:$0x3FAC]  }
0x2d: {  	s3 =	simm.s32 $0x108;
	s8 =	sld [smem:$0x3FAD]  }
0x2e: {  	s3 =	simm.s32 @!p0 $0x1082;
	s9 =	sld [smem:$0x3FAE]  }
0x2f: {  	lr =	sadd.s32 s0, s3;
	s0 =	sld [smem:$0x3FA5]  }
0x30: {  	s3 =	sld [smem:$0x3FA8]  }
0x31: {  	[smem:$0x3FB1] =	sst s10  }
0x32: {  	s10 =	sld [smem:$0x3FAF];
	_ =	sdelay $0x3  }
0x33: {  	p0 =	seq.s32 s10, $0x1;
	s10 =	sld [smem:$0x3FB1];
	_ =	sdelay $0x3  }
0x34: {  	[smem:$0x3FB1] =	sst s10  }
0x35: {  	s10 =	sld [smem:$0x3FB0];
	_ =	sdelay $0x3  }
0x36: {  	p1 =	seq.s32 s10, $0x1;
	s10 =	sld [smem:$0x3FB1];
	_ =	sdelay $0x3  }
0x37: {  	[smem:$0x3FB1] =	sst s10  }
0x38: {  	s10 =	sld [smem:$0x3FB2]  }
0x39: {  	_ = 	snop;
	(pc) =	sbr.ind lr, $3  }
0x3a: {  	_ = 	snop  }
0x3b: {  	_ = 	snop  }
0x3c: {  	p2 =	seq.s32 s10, $0x1;
	s10 =	sld [smem:$0x3FB1]  }
0x3d: {  	_ =	shalt  }
0x3e: {  	_ =	shalt  }
0x3f: {  	_ =	shalt  }
0x40: {  	_ =	shalt  }
0x41: {  	_ =	shalt  }
0x42: {  	_ =	shalt  }
0x43: {  	_ =	shalt  }
0x44: {  	_ =	shalt  }
0x45: {  	_ =	shalt  }
0x46: {  	_ =	shalt  }
0x47: {  	_ =	shalt  }
0x48: {  	_ =	shalt  }
0x49: {  	_ =	shalt  }
0x4a: {  	_ =	shalt  }
0x4b: {  	_ =	shalt  }
0x4c: {  	_ =	shalt  }
0x4d: {  	_ =	shalt  }
0x4e: {  	_ =	shalt  }
0x4f: {  	_ =	shalt  }
0x50: {  	_ =	shalt  }
0x51: {  	_ =	shalt  }
0x52: {  	_ =	shalt  }
0x53: {  	_ =	shalt  }
0x54: {  	_ =	shalt  }
0x55: {  	_ =	shalt  }
0x56: {  	_ =	shalt  }
0x57: {  	_ =	shalt  }
0x58: {  	_ =	shalt  }
0x59: {  	_ =	shalt  }
0x5a: {  	_ =	shalt  }
0x5b: {  	_ =	shalt  }
0x5c: {  	_ =	shalt  }
0x5d: {  	_ =	shalt  }
0x5e: {  	_ =	shalt  }
0x5f: {  	_ =	shalt  }
0x60: {  	_ =	shalt  }
0x61: {  	_ =	shalt  }
0x62: {  	_ =	shalt  }
0x63: {  	_ =	shalt  }
0x64: {  	_ =	shalt  }
0x65: {  	_ =	shalt  }
0x66: {  	_ =	shalt  }
0x67: {  	_ =	shalt  }
0x68: {  	_ =	shalt  }
0x69: {  	_ =	shalt  }
0x6a: {  	_ =	shalt  }
0x6b: {  	_ =	shalt  }
0x6c: {  	_ =	shalt  }
0x6d: {  	_ =	shalt  }
0x6e: {  	_ =	shalt  }
0x6f: {  	_ =	shalt  }
0x70: {  	_ =	shalt  }
0x71: {  	_ =	shalt  }
0x72: {  	_ =	shalt  }
0x73: {  	_ =	shalt  }
0x74: {  	_ =	shalt  }
0x75: {  	_ =	shalt  }
0x76: {  	_ =	shalt  }
0x77: {  	_ =	shalt  }
0x78: {  	_ =	shalt  }
0x79: {  	_ =	shalt  }
0x7a: {  	_ =	shalt  }
0x7b: {  	_ =	shalt  }
0x7c: {  	_ =	shalt  }
0x7d: {  	_ =	shalt  }
0x7e: {  	_ =	shalt  }
0x7f: {  	_ =	shalt  }
0x80: {  	_ =	shalt  }
0x81: {  	_ =	shalt  }
0x82: {  	_ =	shalt  }
0x83: {  	_ =	shalt  }
0x84: {  	_ =	shalt  }
0x85: {  	_ =	shalt  }
0x86: {  	_ =	shalt  }
0x87: {  	_ =	shalt  }
.Lfunc_end0:
.L_simem_size_0:
called_computation_lowered:
.L_overlay_start_0:
0x88: {  	s2 =	sld [smem:$0x3FD9]  }
0x89: {  	s3 =	sld [smem:$0x3FFE];
	_ =	sdelay $0x1  }
0x8a: {  	s1 =	srdreg.scid  }
0x8b: {  	s0 =	sand.u32 $0x1, s1  }
0x8c: {  	s14 =	sshll.u32 s0, $0xA;
	s2 =	sadd.s32 s3, s2  }
0x8d: {  	s2 =	sadd.s32 s2, s14  }
0x8e: {  	[smem:$0x3FBD] =	sst s2  }
0x8f: {  	_ = 	snop  }
0x90: {  	s15 =	sld [smem:$0x3FD0];
	_ =	sdelay $0x2  }
0x91: {  	s4 =	simm.s32 $0xA;
	s5 =	simm.s32 $0x10;
	s2 =	sld [smem:$0x3FC7]  }
0x92: {  	[smem:s5], [sflag:s4] =	dma.local [hbm:s15], $0x1  }
0x93: {  	_ =	swait.eq [sflag:s4], $0x1  }
0x94: {  	s6 =	sld [smem:$0x13]  }
0x95: {  	s7 =	sld [smem:$0x14]  }
0x96: {  	s8 =	sld [smem:$0x15];
	[sflag:s4] =	ssyncset.done $0x0  }
0x97: {  	s9 =	sld [smem:$0x16];
	[sflag:s4] =	ssyncadd.s32 $0xFFFFFFFF  }
0x98: {  	s3 =	sadd.s32 $0x1, s15;
	s10 =	sld [smem:$0x17]  }
0x99: {  	[smem:s5], [sflag:s4] =	dma.local [hbm:s3], $0x1  }
0x9a: {  	_ =	swait.eq [sflag:s4], $0x1  }
0x9b: {  	s16 =	sld [smem:$0x10];
	[sflag:s4] =	ssyncset.done $0x0  }
0x9c: {  	s17 =	sld [smem:$0x11];
	[sflag:s4] =	ssyncadd.s32 $0xFFFFFFFF  }
0x9d: {  	s18 =	sld [smem:$0x12];
	(tm) =	ssettm $0x1  }
0x9e: {  	s11 =	sld [smem:$0x3FFB];
	_ =	sdelay $0x3  }
0x9f: {  	_ =	strace s11  }
0xa0: {  	s11 =	sld [smem:$0x3FFC];
	_ =	sdelay $0x3  }
0xa1: {  	_ =	strace s11  }
0xa2: {  	s11 =	sld [smem:$0x3FFD];
	_ =	sdelay $0x3  }
0xa3: {  	_ =	strace s11  }
0xa4: {  	_ =	strace $0x8FFFFFFF  }
0xa5: {  	s19 =	sld [smem:$0x3FDB];
	_ =	sdelay $0x1  }
0xa6: {  	s12 =	simm.s32 $_scs_section_size  }
0xa7: {  	s13 =	simm.s32 $_size__tile_overlayer_lowered;
	s14 =	simm.s32 $_tile_overlayer_lowered  }
0xa8: {  	s22 =	simm.s32 $0x1BFF;
	s21 =	sshll.u32 s14, $0x1;
	s11 =	sadd.s32 s12, s19  }
0xa9: {  	s20 =	sshll.u32 s13, $0x1;
	s15 =	simm.s32 $0x0;
	s13 =	sadd.s32 s21, s11  }
0xaa: {  	[timem:s15], [sflag:s22] =	dma.local [hbm:s13], s20  }
0xab: {  	_ =	swait.ge [sflag:s22], s20  }
0xac: {  	s12 =	ssub.s32 $0x0, s20;
	[sflag:s22] =	ssyncset.done $0x0  }
0xad: {  	[sflag:s22] =	ssyncadd.s32 s12;
	_ =	sdelay $0x1  }
0xae: {  	s23 =	simm.s32 $0x1B8B  }
0xaf: {  	_ =	swait.ge [sflag:s23], $0x1  }
0xb0: {  	[sflag:s23] =	ssyncset.done $0x0  }
0xb1: {  	s25 =	simm.s32 $0x1B8E;
	s24 =	sld [smem:$0x3FFE];
	[sflag:s23] =	ssyncadd.s32 $0xFFFFFFFF  }
0xb2: {  	s26 =	simm.s32 $execute0_lowered;
	[smem:$0x3FD2] =	sst s25  }
0xb3: {  	s13 =	sshll.u32 s26, $0x1;
	_ =	strace $0x80000046;
	[dreg:$0x1] =	wrdreg $0xFFFFFFFF  }
0xb4: {  	s28 =	simm.s32 $_size_execute0_lowered;
	s11 =	sadd.s32 s11, s13;
	[dreg:$0x0] =	wrdreg $0x0  }
0xb5: {  	s13 =	sshll.u32 s28, $0x1;
	[dreg:$0x2] =	wrdreg s11  }
0xb6: {  	[dreg:$0x3] =	wrdreg s13  }
0xb7: {  	[dreg:$0x4] =	wrdreg $0xC0  }
0xb8: {  	_ =	task [dreg:s15], $0x5FFFF  }
0xb9: {  	[dreg:$0x1] =	wrdreg $0xFFFFFFFF  }
0xba: {  	[dreg:$0x0] =	wrdreg $0x60  }
0xbb: {  	[dreg:$0x2] =	wrdreg s2  }
0xbc: {  	[dreg:$0x3] =	wrdreg s6  }
0xbd: {  	[dreg:$0x4] =	wrdreg s7  }
0xbe: {  	[dreg:$0x5] =	wrdreg s8  }
0xbf: {  	[dreg:$0x6] =	wrdreg s9  }
0xc0: {  	[dreg:$0x7] =	wrdreg s10  }
0xc1: {  	[dreg:$0x8] =	wrdreg s16  }
0xc2: {  	[dreg:$0x9] =	wrdreg s17  }
0xc3: {  	[dreg:$0xa] =	wrdreg s18  }
0xc4: {  	[dreg:$0xb] =	wrdreg s24  }
0xc5: {  	[dreg:$0xc] =	wrdreg $0x9  }
0xc6: {  	_ =	task.clear_ibuf [dreg:s15], $0xDFFFF;
	_ =	strace $0x90000046  }
0xc7: {  	s29 =	simm.s32 $0x9;
	_ =	strace $0x80000048  }
0xc8: {  	_ =	swait.ge [sflag:s29], $0x1  }
0xc9: {  	[sflag:s29] =	ssyncadd.s32 $0xFFFFFFFF  }
0xca: {  	_ =	strace $0x90000048  }
0xcb: {  	_ =	sfence  }
0xcc: {  	s30 =	sld [smem:$0x0];
	_ =	sdelay $0x2  }
0xcd: {  	s31 =	sshll.u32 s1, $0xD;
	s1 =	sshrl.u32 s1, $0x2  }
0xce: {  	s3 =	sand.u32 $0x4000, s31;
	s1 =	sadd.s32 s1, s30  }
0xcf: {  	s0 =	sor.u32 s3, s0;
	s1 =	sshll.u32 s1, $0x11  }
0xd0: {  	s0 =	sor.u32 s1, s0  }
0xd1: {  	s0 =	sadd.s32 $0x8F2B, s0  }
0xd2: {  	[sflag:s0] =	ssyncadd.remote.s32 $0x1  }
0xd3: {  	_ =	sfence.sel $0xFFFF  }
0xd4: {  	[dreg:$0x0] =	wrdreg $0xFFFFFFFF;
	(pc) =	sbr.abs _section_cstart, $3  }
0xd5: {  	[dreg:$0x1] =	wrdreg $0xFFFFFFFF  }
0xd6: {  	_ =	task.clear_ibuf [dreg:s15], $0x2FFFF;
	_ =	strace $0x9FFFFFFF  }
0xd7: {  	(tm) =	ssettm $0x7FFFFFFF  }
tec
execute0_lowered:
.L_overlay_start_1:
0x0: {  	(tag) =	ssettag $0x1  }
0x1: {  	s10 =	rddreg [dreg:$0x0]  }
0x2: {  	s0 =	rddreg [dreg:$0x1]  }
0x3: {  	s1 =	rddreg [dreg:$0x3]  }
0x4: {  	s2 =	rddreg [dreg:$0x4]  }
0x5: {  	s4 =	rddreg [dreg:$0x5]  }
0x6: {  	s5 =	rddreg [dreg:$0x6]  }
0x7: {  	s6 =	rddreg [dreg:$0x7]  }
0x8: {  	s7 =	srdreg.scid;
	s8 =	rddreg [dreg:$0x8]  }
0x9: {  	s3 =	stileid.u32;
	s22 =	rddreg [dreg:$0x9];
	s31 =	sand.u32 $0x1, s7  }
0xa: {  	[dreg:$0xb] =	wrdreg s0;
	s11 =	sshll.u32 s3, $0x6;
	s12 =	sshll.u32 s31, $0x5  }
0xb: {  	s9 =	simm.s32 $0x0;
	s0 =	rddreg [dreg:$0x2];
	s28 =	sor.u32 s12, s11  }
0xc: {  	[smem:$0x7FF] =	sst s9;
	s11 =	sshrl.u32 s28, $0x3  }
0xd: {  	_ =	strace $0x80000047;
	s10 =	sadd.s32 s10, s11;
	s11 =	simm.s32 $0x2  }
0xe: {  	[tilespmem:s9], [sflag:$0x2] =	stream.linear.gather [hbm4b:s10+s9], $0x20, $0x38;
	[tilespmem:$0x480] =	vst v63  }
0xf: {  	_ =	swait.ge [sflag:s11], $0x20  }
0x10: {  	s13 =	simm.s32 $0x80;
	[sflag:s11] =	ssyncset.done $0x0  }
0x11: {  	s12 =	simm.s32 $0x20;
	s14 =	rddreg [dreg:$0xb];
	[sflag:s11] =	ssyncadd.s32 $0xFFFFFFE0  }
0x12: {  	[tilespmem:s13], [sflag:$0x1] =	stream.indirect.gather [hbm4b:s14+s12], $0x1, s9, s12, $0xb8;
	[tilespmem:$0x480] =	vst v63  }
0x13: {  	s14 =	simm.s32 $0x100  }
0x14: {  	[tilespmem:s14], [sflag:$0x1] =	stream.indirect.gather [hbm4b:s0+s12], $0x1, s9, s12, $0xb8;
	[tilespmem:$0x480] =	vst v63  }
0x15: {  	s15 =	simm.s32 $0x180  }
0x16: {  	[tilespmem:s15], [sflag:$0x1] =	stream.indirect.gather [hbm4b:s1+s12], $0x1, s9, s12, $0xb8;
	[tilespmem:$0x480] =	vst v63  }
0x17: {  	s16 =	simm.s32 $0x200  }
0x18: {  	[tilespmem:s16], [sflag:$0x1] =	stream.indirect.gather [hbm4b:s2+s12], $0x1, s9, s12, $0xb8;
	[tilespmem:$0x480] =	vst v63  }
0x19: {  	s17 =	simm.s32 $0x280  }
0x1a: {  	[tilespmem:s17], [sflag:$0x1] =	stream.indirect.gather [hbm4b:s4+s12], $0x1, s9, s12, $0xb8;
	[tilespmem:$0x480] =	vst v63  }
0x1b: {  	s18 =	simm.s32 $0x300  }
0x1c: {  	[tilespmem:s18], [sflag:$0x1] =	stream.indirect.gather [hbm4b:s5+s12], $0x1, s9, s12, $0xb8;
	[tilespmem:$0x480] =	vst v63  }
0x1d: {  	s19 =	simm.s32 $0x380  }
0x1e: {  	[tilespmem:s19], [sflag:$0x1] =	stream.indirect.gather [hbm4b:s6+s12], $0x1, s9, s12, $0xb8;
	[tilespmem:$0x480] =	vst v63  }
0x1f: {  	s21 =	simm.s32 $0x400;
	s20 =	simm.s32 $0x1  }
0x20: {  	[tilespmem:s21], [sflag:$0x1] =	stream.indirect.gather [hbm4b:s8+s12], $0x1, s9, s12, $0xb8;
	[tilespmem:$0x480] =	vst v63  }
0x21: {  	_ =	swait.ge [sflag:s20], $0x20  }
0x22: {  	[sflag:s20] =	ssyncset.done $0x0  }
0x23: {  	[sflag:s20] =	ssyncadd.s32 $0xFFFFFFE0  }
0x24: {  	_ =	swait.ge [sflag:s20], $0x20  }
0x25: {  	[sflag:s20] =	ssyncset.done $0x0  }
0x26: {  	[sflag:s20] =	ssyncadd.s32 $0xFFFFFFE0  }
0x27: {  	_ =	swait.ge [sflag:s20], $0x20  }
0x28: {  	[sflag:s20] =	ssyncset.done $0x0  }
0x29: {  	[sflag:s20] =	ssyncadd.s32 $0xFFFFFFE0  }
0x2a: {  	_ =	swait.ge [sflag:s20], $0x20  }
0x2b: {  	[sflag:s20] =	ssyncset.done $0x0  }
0x2c: {  	[sflag:s20] =	ssyncadd.s32 $0xFFFFFFE0  }
0x2d: {  	_ =	swait.ge [sflag:s20], $0x20  }
0x2e: {  	[sflag:s20] =	ssyncset.done $0x0  }
0x2f: {  	[sflag:s20] =	ssyncadd.s32 $0xFFFFFFE0  }
0x30: {  	_ =	swait.ge [sflag:s20], $0x20  }
0x31: {  	[sflag:s20] =	ssyncset.done $0x0  }
0x32: {  	[sflag:s20] =	ssyncadd.s32 $0xFFFFFFE0  }
0x33: {  	_ =	swait.ge [sflag:s20], $0x20  }
0x34: {  	s23 =	sshll.u32 s3, $0x9;
	[sflag:s20] =	ssyncset.done $0x0  }
0x35: {  	s23 =	sor.u32 s23, s28;
	[sflag:s20] =	ssyncadd.s32 $0xFFFFFFE0  }
0x36: {  	s23 =	sand.u32 $0x1C60, s23;
	_ =	swait.ge [sflag:s20], $0x20  }
0x37: {  	s30 =	sadd.s32 $0x6600, s22;
	s26 =	sshrl.u32 s23, $0x3;
	[sflag:s20] =	ssyncset.done $0x0  }
0x38: {  	s22 =	sadd.s32 s30, s26;
	[sflag:s20] =	ssyncadd.s32 $0xFFFFFFE0  }
0x39: {  	[hbm4b:s22+s9] =	stream.linear.scatter [tilespmem:s13], [sflag:$0x1], $0x20, $0x38;
	[tilespmem:$0x480] =	vst v63  }
0x3a: {  	s23 =	sadd.s32 $0x10, s22  }
0x3b: {  	[hbm4b:s23+s9] =	stream.linear.scatter [tilespmem:s14], [sflag:$0x1], $0x20, $0x38;
	[tilespmem:$0x480] =	vst v63  }
0x3c: {  	s26 =	sand.u32 $0x60, s28;
	s24 =	sadd.s32 $0x20, s22  }
0x3d: {  	[hbm4b:s24+s9] =	stream.linear.scatter [tilespmem:s15], [sflag:$0x1], $0x20, $0x38;
	[tilespmem:$0x480] =	vst v63  }
0x3e: {  	s25 =	sadd.s32 $0x30, s22;
	s29 =	sshrl.u32 s26, $0x3  }
0x3f: {  	[hbm4b:s25+s9] =	stream.linear.scatter [tilespmem:s16], [sflag:$0x1], $0x20, $0x38;
	[tilespmem:$0x480] =	vst v63  }
0x40: {  	s26 =	sadd.s32 $0x40, s22;
	s7 =	sor.u32 s28, s29  }
0x41: {  	[hbm4b:s26+s9] =	stream.linear.scatter [tilespmem:s17], [sflag:$0x1], $0x20, $0x38;
	[tilespmem:$0x480] =	vst v63  }
0x42: {  	s28 =	sadd.s32 $0x50, s22;
	s29 =	sor.u32 $0x60, s7  }
0x43: {  	[hbm4b:s28+s9] =	stream.linear.scatter [tilespmem:s18], [sflag:$0x1], $0x20, $0x38;
	[tilespmem:$0x480] =	vst v63  }
0x44: {  	s7 =	sor.u32 $0x70, s7;
	s29 =	sadd.s32 s30, s29  }
0x45: {  	[hbm4b:s29+s9] =	stream.linear.scatter [tilespmem:s19], [sflag:$0x1], $0x20, $0x38;
	[tilespmem:$0x480] =	vst v63  }
0x46: {  	s30 =	sadd.s32 s30, s7  }
0x47: {  	[hbm4b:s30+s9] =	stream.linear.scatter [tilespmem:s21], [sflag:$0x1], $0x20, $0x38;
	[tilespmem:$0x480] =	vst v63  }
0x48: {  	_ =	swait.ge [sflag:s20], $0x20  }
0x49: {  	[sflag:s20] =	ssyncset.done $0x0  }
0x4a: {  	[sflag:s20] =	ssyncadd.s32 $0xFFFFFFE0  }
0x4b: {  	_ =	swait.ge [sflag:s20], $0x20  }
0x4c: {  	[sflag:s20] =	ssyncset.done $0x0  }
0x4d: {  	[sflag:s20] =	ssyncadd.s32 $0xFFFFFFE0  }
0x4e: {  	_ =	swait.ge [sflag:s20], $0x20  }
0x4f: {  	[sflag:s20] =	ssyncset.done $0x0  }
0x50: {  	[sflag:s20] =	ssyncadd.s32 $0xFFFFFFE0  }
0x51: {  	_ =	swait.ge [sflag:s20], $0x20  }
0x52: {  	[sflag:s20] =	ssyncset.done $0x0  }
0x53: {  	[sflag:s20] =	ssyncadd.s32 $0xFFFFFFE0  }
0x54: {  	_ =	swait.ge [sflag:s20], $0x20  }
0x55: {  	s7 =	ssub.s32 $0x2, s31;
	[sflag:s20] =	ssyncset.done $0x0  }
0x56: {  	s31 =	sshrl.u32 s7, $0x1;
	[sflag:s20] =	ssyncadd.s32 $0xFFFFFFE0  }
0x57: {  	s7 =	ssub.s32 s7, s31;
	_ =	swait.ge [sflag:s20], $0x20  }
0x58: {  	s7 =	smax.u32 s7, $0x1;
	[sflag:s20] =	ssyncset.done $0x0  }
0x59: {  	p0 =	sne.s32 s7, $0x1;
	[sflag:s20] =	ssyncadd.s32 $0xFFFFFFE0  }
.Ltmp0:
0x5a: {  	_ =	swait.ge [sflag:s20], $0x20;
	(pc) =	sbr.rel @!p0 .LBB2_2-.Ltmp0, $4  }
0x5b: {  	[sflag:s20] =	ssyncset.done $0x0  }
0x5c: {  	[sflag:s20] =	ssyncadd.s32 $0xFFFFFFE0  }
0x5d: {  	_ =	swait.ge [sflag:s20], $0x20  }
0x5e: {  	s31 =	sadd.s32 $0xFFFFFFFF, s7;
	[sflag:s20] =	ssyncset.done $0x0  }
.LBB2_1:
0x5f: {  	[sflag:s20] =	ssyncadd.s32 $0xFFFFFFE0  }
0x60: {  	[tilespmem:s9], [sflag:$0x2] =	stream.linear.gather [hbm4b:s10+s9], $0x20, $0x38;
	[tilespmem:$0x480] =	vst v63  }
0x61: {  	_ =	swait.ge [sflag:s11], $0x20  }
0x62: {  	[sflag:s11] =	ssyncset.done $0x0  }
0x63: {  	s7 =	rddreg [dreg:$0xb];
	[sflag:s11] =	ssyncadd.s32 $0xFFFFFFE0  }
0x64: {  	[tilespmem:s13], [sflag:$0x1] =	stream.indirect.gather [hbm4b:s7+s12], $0x1, s9, s12, $0xb8;
	[tilespmem:$0x480] =	vst v63  }
0x65: {  	_ = 	snop  }
0x66: {  	[tilespmem:s14], [sflag:$0x1] =	stream.indirect.gather [hbm4b:s0+s12], $0x1, s9, s12, $0xb8;
	[tilespmem:$0x480] =	vst v63  }
0x67: {  	_ = 	snop  }
0x68: {  	[tilespmem:s15], [sflag:$0x1] =	stream.indirect.gather [hbm4b:s1+s12], $0x1, s9, s12, $0xb8;
	[tilespmem:$0x480] =	vst v63  }
0x69: {  	_ = 	snop  }
0x6a: {  	[tilespmem:s16], [sflag:$0x1] =	stream.indirect.gather [hbm4b:s2+s12], $0x1, s9, s12, $0xb8;
	[tilespmem:$0x480] =	vst v63  }
0x6b: {  	_ = 	snop  }
0x6c: {  	[tilespmem:s17], [sflag:$0x1] =	stream.indirect.gather [hbm4b:s4+s12], $0x1, s9, s12, $0xb8;
	[tilespmem:$0x480] =	vst v63  }
0x6d: {  	_ = 	snop  }
0x6e: {  	[tilespmem:s18], [sflag:$0x1] =	stream.indirect.gather [hbm4b:s5+s12], $0x1, s9, s12, $0xb8;
	[tilespmem:$0x480] =	vst v63  }
0x6f: {  	_ = 	snop  }
0x70: {  	[tilespmem:s19], [sflag:$0x1] =	stream.indirect.gather [hbm4b:s6+s12], $0x1, s9, s12, $0xb8;
	[tilespmem:$0x480] =	vst v63  }
0x71: {  	_ = 	snop  }
0x72: {  	[tilespmem:s21], [sflag:$0x1] =	stream.indirect.gather [hbm4b:s8+s12], $0x1, s9, s12, $0xb8;
	[tilespmem:$0x480] =	vst v63  }
0x73: {  	_ =	swait.ge [sflag:s20], $0x20  }
0x74: {  	[sflag:s20] =	ssyncset.done $0x0  }
0x75: {  	[sflag:s20] =	ssyncadd.s32 $0xFFFFFFE0  }
0x76: {  	_ =	swait.ge [sflag:s20], $0x20  }
0x77: {  	[sflag:s20] =	ssyncset.done $0x0  }
0x78: {  	[sflag:s20] =	ssyncadd.s32 $0xFFFFFFE0  }
0x79: {  	_ =	swait.ge [sflag:s20], $0x20  }
0x7a: {  	[sflag:s20] =	ssyncset.done $0x0  }
0x7b: {  	[sflag:s20] =	ssyncadd.s32 $0xFFFFFFE0  }
0x7c: {  	_ =	swait.ge [sflag:s20], $0x20  }
0x7d: {  	[sflag:s20] =	ssyncset.done $0x0  }
0x7e: {  	[sflag:s20] =	ssyncadd.s32 $0xFFFFFFE0  }
0x7f: {  	_ =	swait.ge [sflag:s20], $0x20  }
0x80: {  	[sflag:s20] =	ssyncset.done $0x0  }
0x81: {  	[sflag:s20] =	ssyncadd.s32 $0xFFFFFFE0  }
0x82: {  	_ =	swait.ge [sflag:s20], $0x20  }
0x83: {  	[sflag:s20] =	ssyncset.done $0x0  }
0x84: {  	[sflag:s20] =	ssyncadd.s32 $0xFFFFFFE0  }
0x85: {  	_ =	swait.ge [sflag:s20], $0x20  }
0x86: {  	[sflag:s20] =	ssyncset.done $0x0  }
0x87: {  	[sflag:s20] =	ssyncadd.s32 $0xFFFFFFE0  }
0x88: {  	_ =	swait.ge [sflag:s20], $0x20  }
0x89: {  	[sflag:s20] =	ssyncset.done $0x0  }
0x8a: {  	[sflag:s20] =	ssyncadd.s32 $0xFFFFFFE0  }
0x8b: {  	[hbm4b:s22+s9] =	stream.linear.scatter [tilespmem:s13], [sflag:$0x1], $0x20, $0x38;
	[tilespmem:$0x480] =	vst v63  }
0x8c: {  	_ = 	snop  }
0x8d: {  	[hbm4b:s23+s9] =	stream.linear.scatter [tilespmem:s14], [sflag:$0x1], $0x20, $0x38;
	[tilespmem:$0x480] =	vst v63  }
0x8e: {  	_ = 	snop  }
0x8f: {  	[hbm4b:s24+s9] =	stream.linear.scatter [tilespmem:s15], [sflag:$0x1], $0x20, $0x38;
	[tilespmem:$0x480] =	vst v63  }
0x90: {  	_ = 	snop  }
0x91: {  	[hbm4b:s25+s9] =	stream.linear.scatter [tilespmem:s16], [sflag:$0x1], $0x20, $0x38;
	[tilespmem:$0x480] =	vst v63  }
0x92: {  	_ = 	snop  }
0x93: {  	[hbm4b:s26+s9] =	stream.linear.scatter [tilespmem:s17], [sflag:$0x1], $0x20, $0x38;
	[tilespmem:$0x480] =	vst v63  }
0x94: {  	_ = 	snop  }
0x95: {  	[hbm4b:s28+s9] =	stream.linear.scatter [tilespmem:s18], [sflag:$0x1], $0x20, $0x38;
	[tilespmem:$0x480] =	vst v63  }
0x96: {  	_ = 	snop  }
0x97: {  	[hbm4b:s29+s9] =	stream.linear.scatter [tilespmem:s19], [sflag:$0x1], $0x20, $0x38;
	[tilespmem:$0x480] =	vst v63  }
0x98: {  	_ = 	snop  }
0x99: {  	[hbm4b:s30+s9] =	stream.linear.scatter [tilespmem:s21], [sflag:$0x1], $0x20, $0x38;
	[tilespmem:$0x480] =	vst v63  }
0x9a: {  	_ =	swait.ge [sflag:s20], $0x20  }
0x9b: {  	[sflag:s20] =	ssyncset.done $0x0  }
0x9c: {  	[sflag:s20] =	ssyncadd.s32 $0xFFFFFFE0  }
0x9d: {  	_ =	swait.ge [sflag:s20], $0x20  }
0x9e: {  	[sflag:s20] =	ssyncset.done $0x0  }
0x9f: {  	[sflag:s20] =	ssyncadd.s32 $0xFFFFFFE0  }
0xa0: {  	_ =	swait.ge [sflag:s20], $0x20  }
0xa1: {  	[sflag:s20] =	ssyncset.done $0x0  }
0xa2: {  	[sflag:s20] =	ssyncadd.s32 $0xFFFFFFE0  }
0xa3: {  	_ =	swait.ge [sflag:s20], $0x20  }
0xa4: {  	[sflag:s20] =	ssyncset.done $0x0  }
0xa5: {  	[sflag:s20] =	ssyncadd.s32 $0xFFFFFFE0  }
0xa6: {  	_ =	swait.ge [sflag:s20], $0x20  }
0xa7: {  	[sflag:s20] =	ssyncset.done $0x0  }
0xa8: {  	[sflag:s20] =	ssyncadd.s32 $0xFFFFFFE0  }
0xa9: {  	_ =	swait.ge [sflag:s20], $0x20  }
0xaa: {  	[sflag:s20] =	ssyncset.done $0x0  }
0xab: {  	p0 =	sne.s32 s31, $0x1;
	[sflag:s20] =	ssyncadd.s32 $0xFFFFFFE0  }
.Ltmp1:
0xac: {  	_ =	swait.ge [sflag:s20], $0x20;
	(pc) =	sbr.rel @p0 .LBB2_1-.Ltmp1, $4  }
0xad: {  	[sflag:s20] =	ssyncset.done $0x0  }
0xae: {  	[sflag:s20] =	ssyncadd.s32 $0xFFFFFFE0  }
0xaf: {  	_ =	swait.ge [sflag:s20], $0x20  }
0xb0: {  	s31 =	sadd.s32 $0xFFFFFFFF, s31;
	[sflag:s20] =	ssyncset.done $0x0  }
.LBB2_2:
0xb1: {  	[sflag:s20] =	ssyncadd.s32 $0xFFFFFFE0  }
0xb2: {  	_ =	sfence.sel $0x180000  }
0xb3: {  	[bflag:$0x0] =	sbarrier.arrive $0xFFFF  }
0xb4: {  	_ =	strace $0x90000047  }
0xb5: {  	[bflag:$0x2] =	sbarrier.arrive $0xFFFF  }
0xb6: {  	p0 =	sne.s32 s3, $0x0;
	s0 =	rddreg [dreg:$0xa]  }
0xb7: {  	s0 =	sadd.s32 @!p0 $0x100000, s0  }
0xb8: {  	[sflag:s0] =	ssyncadd.tile.s32 @!p0 $0x1;
	_ =	shalt  }
.Lfunc_end2:
_tile_overlayer_lowered:
.L_overlay_start_2:
0xb9: {  	(tag) =	ssettag $0x2  }
0xba: {  	s0 =	rddreg [dreg:$0x0];
	s2 =	stileid.u32  }
0xbb: {  	s1 =	rddreg [dreg:$0x1];
	p0 =	sne.s32 s2, $0x0  }
0xbc: {  	s3 =	rddreg [dreg:$0x2];
	[bflag:$0x3] =	sbarrier.arrive $0xFFFF;
	s2 =	simm.s32 @!p0 $0x1C02  }
0xbd: {  	[timem:s3], [sflag:s2] =	dma.local @!p0 [hbm:s0], s1  }
0xbe: {  	s0 =	simm.s32 @!p0 $0x2  }
0xbf: {  	_ =	swait.ge @!p0 [sflag:s0], s1  }
0xc0: {  	s1 =	ssub.s32 @!p0 $0x0, s1;
	[sflag:s0] =	ssyncset.done @!p0 $0x0  }
0xc1: {  	[sflag:s0] =	ssyncadd.s32 @!p0 s1  }
0xc2: {  	[bflag:$0x3] =	sbarrier.arrive $0xFFFF  }
0xc3: {  	_ =	shalt  }

// kernel: kernel.8.cloned.1.call-start
scs
__scs_entry_jumppad:
0x0: {  	(pc) =	sbr.rel $0x88, $3  }
0x1: {  	(tag) =	ssettag $0x0;
	lr =	simm.s32 $0x1  }
0x2: {  	[smem:$0x3F96] =	sst lr;
	_ =	strace $0xD0000000  }
0x3: {  	_ = 	snop  }
0x4: {  	_ = 	snop  }
0x5: {  	_ = 	snop  }
0x6: {  	_ = 	snop  }
0x7: {  	_ = 	snop  }
__scs_overlays_trampoline_lowered:
0x8: {  	[smem:$0x3FA5] =	sst s0  }
0x9: {  	[smem:$0x3FA6] =	sst s1  }
0xa: {  	[smem:$0x3FA7] =	sst s2  }
0xb: {  	[smem:$0x3FA8] =	sst s3  }
0xc: {  	[smem:$0x3FA9] =	sst s4  }
0xd: {  	[smem:$0x3FAA] =	sst s5  }
0xe: {  	[smem:$0x3FAB] =	sst s6  }
0xf: {  	[smem:$0x3FAC] =	sst s7  }
0x10: {  	[smem:$0x3FAD] =	sst s8  }
0x11: {  	[smem:$0x3FAE] =	sst s9;
	s0 =	simm.s32 @!p0 $0x0  }
0x12: {  	s1 =	sld [smem:$0x3F94];
	s0 =	simm.s32 @p0 $0x1  }
0x13: {  	[smem:$0x3FAF] =	sst s0;
	s0 =	simm.s32 @!p1 $0x0  }
0x14: {  	s2 =	sld [smem:$0x3F93];
	s0 =	simm.s32 @p1 $0x1  }
0x15: {  	[smem:$0x3FB0] =	sst s0;
	s0 =	simm.s32 @!p2 $0x0  }
0x16: {  	s3 =	sld [smem:$0x3FDB];
	s0 =	simm.s32 @p2 $0x1  }
0x17: {  	s4 =	simm.s32 $0x1BF5;
	[smem:$0x3FB2] =	sst s0  }
0x18: {  	s0 =	sld [smem:$0x3F95];
	_ =	swait.ge [sflag:s4], $0x0  }
0x19: {  	s7 =	sld [smem:$0x3F96]  }
0x1a: {  	s8 =	sadd.s32 $0xFFFFE003, lr  }
0x1b: {  	s9 =	sadd.s32 $0xFFFFFEF7, lr;
	s5 =	simm.s32 $0xFFFFFFFF;
	p2 =	slt.u32 s8, $0xFFFFF086  }
0x1c: {  	p1 =	slt.u32 s9, $0xF7A;
	s5 =	simm.s32 @!p2 $0x0  }
0x1d: {  	s5 =	simm.s32 @p1 $0x1;
	p0 =	seq.s32 s7, s2  }
0x1e: {  	s7 =	smul.u32 @!p0 $0xF7A, s2;
	p2 =	seq.s32 @!p0 s5, $0x0  }
0x1f: {  	s9 =	smul.u32 $0xF7A, s1;
	s8 =	simm.s32 @!p0 $0x1BF5;
	p2 =	por !p2, p0  }
0x20: {  	[sflag:s8] =	ssyncset.s32 @!p0 $0xFFFFF086;
	s6 =	sadd.s32 @!p0 s3, s7;
	s7 =	simm.s32 @!p0 $0x108  }
0x21: {  	s3 =	sadd.s32 s3, s9;
	s6 =	sadd.s32 @!p0 $0x88, s6;
	s7 =	simm.s32 @p2 $0x1082  }
0x22: {  	[simem:s7], [sflag:s8] =	dma.local @!p0 [hbm:s6], $0xF7A  }
0x23: {  	s9 =	sor.u32 $0xD0000000, s2;
	s6 =	simm.s32 $0x108;
	_ =	swait.ge @!p0 [sflag:s8], $0x0  }
0x24: {  	s3 =	sadd.s32 $0x88, s3;
	s6 =	simm.s32 @!p1 $0x1082;
	[sflag:s4] =	ssyncset.s32 $0xFFFFF086  }
0x25: {  	[simem:s6], [sflag:s4] =	dma.local [hbm:s3], $0xF7A  }
0x26: {  	[smem:$0x3F96] =	sst s1;
	(tag) =	ssettag s2;
	_ =	strace s9  }
0x27: {  	s1 =	sld [smem:$0x3FA6]  }
0x28: {  	s2 =	sld [smem:$0x3FA7]  }
0x29: {  	s4 =	sld [smem:$0x3FA9]  }
0x2a: {  	p0 =	seq.s32 s5, $0x0;
	s5 =	sld [smem:$0x3FAA]  }
0x2b: {  	s6 =	sld [smem:$0x3FAB]  }
0x2c: {  	s7 =	sld [smem:$0x3FAC]  }
0x2d: {  	s3 =	simm.s32 $0x108;
	s8 =	sld [smem:$0x3FAD]  }
0x2e: {  	s3 =	simm.s32 @!p0 $0x1082;
	s9 =	sld [smem:$0x3FAE]  }
0x2f: {  	lr =	sadd.s32 s0, s3;
	s0 =	sld [smem:$0x3FA5]  }
0x30: {  	s3 =	sld [smem:$0x3FA8]  }
0x31: {  	[smem:$0x3FB1] =	sst s10  }
0x32: {  	s10 =	sld [smem:$0x3FAF];
	_ =	sdelay $0x3  }
0x33: {  	p0 =	seq.s32 s10, $0x1;
	s10 =	sld [smem:$0x3FB1];
	_ =	sdelay $0x3  }
0x34: {  	[smem:$0x3FB1] =	sst s10  }
0x35: {  	s10 =	sld [smem:$0x3FB0];
	_ =	sdelay $0x3  }
0x36: {  	p1 =	seq.s32 s10, $0x1;
	s10 =	sld [smem:$0x3FB1];
	_ =	sdelay $0x3  }
0x37: {  	[smem:$0x3FB1] =	sst s10  }
0x38: {  	s10 =	sld [smem:$0x3FB2]  }
0x39: {  	_ = 	snop;
	(pc) =	sbr.ind lr, $3  }
0x3a: {  	_ = 	snop  }
0x3b: {  	_ = 	snop  }
0x3c: {  	p2 =	seq.s32 s10, $0x1;
	s10 =	sld [smem:$0x3FB1]  }
0x3d: {  	_ =	shalt  }
0x3e: {  	_ =	shalt  }
0x3f: {  	_ =	shalt  }
0x40: {  	_ =	shalt  }
0x41: {  	_ =	shalt  }
0x42: {  	_ =	shalt  }
0x43: {  	_ =	shalt  }
0x44: {  	_ =	shalt  }
0x45: {  	_ =	shalt  }
0x46: {  	_ =	shalt  }
0x47: {  	_ =	shalt  }
0x48: {  	_ =	shalt  }
0x49: {  	_ =	shalt  }
0x4a: {  	_ =	shalt  }
0x4b: {  	_ =	shalt  }
0x4c: {  	_ =	shalt  }
0x4d: {  	_ =	shalt  }
0x4e: {  	_ =	shalt  }
0x4f: {  	_ =	shalt  }
0x50: {  	_ =	shalt  }
0x51: {  	_ =	shalt  }
0x52: {  	_ =	shalt  }
0x53: {  	_ =	shalt  }
0x54: {  	_ =	shalt  }
0x55: {  	_ =	shalt  }
0x56: {  	_ =	shalt  }
0x57: {  	_ =	shalt  }
0x58: {  	_ =	shalt  }
0x59: {  	_ =	shalt  }
0x5a: {  	_ =	shalt  }
0x5b: {  	_ =	shalt  }
0x5c: {  	_ =	shalt  }
0x5d: {  	_ =	shalt  }
0x5e: {  	_ =	shalt  }
0x5f: {  	_ =	shalt  }
0x60: {  	_ =	shalt  }
0x61: {  	_ =	shalt  }
0x62: {  	_ =	shalt  }
0x63: {  	_ =	shalt  }
0x64: {  	_ =	shalt  }
0x65: {  	_ =	shalt  }
0x66: {  	_ =	shalt  }
0x67: {  	_ =	shalt  }
0x68: {  	_ =	shalt  }
0x69: {  	_ =	shalt  }
0x6a: {  	_ =	shalt  }
0x6b: {  	_ =	shalt  }
0x6c: {  	_ =	shalt  }
0x6d: {  	_ =	shalt  }
0x6e: {  	_ =	shalt  }
0x6f: {  	_ =	shalt  }
0x70: {  	_ =	shalt  }
0x71: {  	_ =	shalt  }
0x72: {  	_ =	shalt  }
0x73: {  	_ =	shalt  }
0x74: {  	_ =	shalt  }
0x75: {  	_ =	shalt  }
0x76: {  	_ =	shalt  }
0x77: {  	_ =	shalt  }
0x78: {  	_ =	shalt  }
0x79: {  	_ =	shalt  }
0x7a: {  	_ =	shalt  }
0x7b: {  	_ =	shalt  }
0x7c: {  	_ =	shalt  }
0x7d: {  	_ =	shalt  }
0x7e: {  	_ =	shalt  }
0x7f: {  	_ =	shalt  }
0x80: {  	_ =	shalt  }
0x81: {  	_ =	shalt  }
0x82: {  	_ =	shalt  }
0x83: {  	_ =	shalt  }
0x84: {  	_ =	shalt  }
0x85: {  	_ =	shalt  }
0x86: {  	_ =	shalt  }
0x87: {  	_ =	shalt  }
.Lfunc_end0:
.L_simem_size_0:
called_computation.1_lowered:
.L_overlay_start_0:
0x88: {  	s2 =	sld [smem:$0x3FD9]  }
0x89: {  	s3 =	sld [smem:$0x3FFE];
	_ =	sdelay $0x1  }
0x8a: {  	s1 =	srdreg.scid  }
0x8b: {  	s0 =	sand.u32 $0x1, s1  }
0x8c: {  	s14 =	sshll.u32 s0, $0xA;
	s2 =	sadd.s32 s3, s2  }
0x8d: {  	s2 =	sadd.s32 s2, s14  }
0x8e: {  	[smem:$0x3FBD] =	sst s2  }
0x8f: {  	_ = 	snop  }
0x90: {  	s15 =	sld [smem:$0x3FD0];
	_ =	sdelay $0x2  }
0x91: {  	s4 =	simm.s32 $0xA;
	s5 =	simm.s32 $0x10;
	s2 =	sld [smem:$0x3FC7]  }
0x92: {  	[smem:s5], [sflag:s4] =	dma.local [hbm:s15], $0x1  }
0x93: {  	_ =	swait.eq [sflag:s4], $0x1  }
0x94: {  	s6 =	sld [smem:$0x13]  }
0x95: {  	s7 =	sld [smem:$0x14]  }
0x96: {  	s8 =	sld [smem:$0x15];
	[sflag:s4] =	ssyncset.done $0x0  }
0x97: {  	s9 =	sld [smem:$0x16];
	[sflag:s4] =	ssyncadd.s32 $0xFFFFFFFF  }
0x98: {  	s3 =	sadd.s32 $0x1, s15;
	s10 =	sld [smem:$0x17]  }
0x99: {  	[smem:s5], [sflag:s4] =	dma.local [hbm:s3], $0x1  }
0x9a: {  	_ =	swait.eq [sflag:s4], $0x1  }
0x9b: {  	s16 =	sld [smem:$0x10];
	[sflag:s4] =	ssyncset.done $0x0  }
0x9c: {  	s17 =	sld [smem:$0x11];
	[sflag:s4] =	ssyncadd.s32 $0xFFFFFFFF  }
0x9d: {  	s18 =	sld [smem:$0x12];
	(tm) =	ssettm $0x1  }
0x9e: {  	s11 =	sld [smem:$0x3FFB];
	_ =	sdelay $0x3  }
0x9f: {  	_ =	strace s11  }
0xa0: {  	s11 =	sld [smem:$0x3FFC];
	_ =	sdelay $0x3  }
0xa1: {  	_ =	strace s11  }
0xa2: {  	s11 =	sld [smem:$0x3FFD];
	_ =	sdelay $0x3  }
0xa3: {  	_ =	strace s11  }
0xa4: {  	_ =	strace $0x8FFFFFFF  }
0xa5: {  	s19 =	sld [smem:$0x3FDB];
	_ =	sdelay $0x1  }
0xa6: {  	s12 =	simm.s32 $_scs_section_size  }
0xa7: {  	s13 =	simm.s32 $_size__tile_overlayer_lowered;
	s14 =	simm.s32 $_tile_overlayer_lowered  }
0xa8: {  	s22 =	simm.s32 $0x1BFF;
	s21 =	sshll.u32 s14, $0x1;
	s11 =	sadd.s32 s12, s19  }
0xa9: {  	s20 =	sshll.u32 s13, $0x1;
	s15 =	simm.s32 $0x0;
	s13 =	sadd.s32 s21, s11  }
0xaa: {  	[timem:s15], [sflag:s22] =	dma.local [hbm:s13], s20  }
0xab: {  	_ =	swait.ge [sflag:s22], s20  }
0xac: {  	s12 =	ssub.s32 $0x0, s20;
	[sflag:s22] =	ssyncset.done $0x0  }
0xad: {  	[sflag:s22] =	ssyncadd.s32 s12;
	_ =	sdelay $0x1  }
0xae: {  	s23 =	simm.s32 $0x1B8B  }
0xaf: {  	_ =	swait.ge [sflag:s23], $0x1  }
0xb0: {  	[sflag:s23] =	ssyncset.done $0x0  }
0xb1: {  	s25 =	simm.s32 $0x1B8E;
	s24 =	sld [smem:$0x3FFE];
	[sflag:s23] =	ssyncadd.s32 $0xFFFFFFFF  }
0xb2: {  	s26 =	simm.s32 $execute0_lowered;
	[smem:$0x3FD2] =	sst s25  }
0xb3: {  	s13 =	sshll.u32 s26, $0x1;
	_ =	strace $0x80000049;
	[dreg:$0x1] =	wrdreg $0xFFFFFFFF  }
0xb4: {  	s28 =	simm.s32 $_size_execute0_lowered;
	s11 =	sadd.s32 s11, s13;
	[dreg:$0x0] =	wrdreg $0x0  }
0xb5: {  	s13 =	sshll.u32 s28, $0x1;
	[dreg:$0x2] =	wrdreg s11  }
0xb6: {  	[dreg:$0x3] =	wrdreg s13  }
0xb7: {  	[dreg:$0x4] =	wrdreg $0xC0  }
0xb8: {  	_ =	task [dreg:s15], $0x5FFFF  }
0xb9: {  	[dreg:$0x1] =	wrdreg $0xFFFFFFFF  }
0xba: {  	[dreg:$0x0] =	wrdreg $0x60  }
0xbb: {  	[dreg:$0x2] =	wrdreg s2  }
0xbc: {  	[dreg:$0x3] =	wrdreg s24  }
0xbd: {  	[dreg:$0x4] =	wrdreg s6  }
0xbe: {  	[dreg:$0x5] =	wrdreg s7  }
0xbf: {  	[dreg:$0x6] =	wrdreg s8  }
0xc0: {  	[dreg:$0x7] =	wrdreg s9  }
0xc1: {  	[dreg:$0x8] =	wrdreg s10  }
0xc2: {  	[dreg:$0x9] =	wrdreg s16  }
0xc3: {  	[dreg:$0xa] =	wrdreg s17  }
0xc4: {  	[dreg:$0xb] =	wrdreg s18  }
0xc5: {  	[dreg:$0xc] =	wrdreg $0x9  }
0xc6: {  	_ =	task.clear_ibuf [dreg:s15], $0xDFFFF;
	_ =	strace $0x90000049  }
0xc7: {  	s29 =	simm.s32 $0x9;
	_ =	strace $0x8000004B  }
0xc8: {  	_ =	swait.ge [sflag:s29], $0x1  }
0xc9: {  	[sflag:s29] =	ssyncadd.s32 $0xFFFFFFFF  }
0xca: {  	_ =	strace $0x9000004B  }
0xcb: {  	_ =	sfence  }
0xcc: {  	s30 =	sld [smem:$0x0];
	_ =	sdelay $0x2  }
0xcd: {  	s31 =	sshll.u32 s1, $0xD;
	s1 =	sshrl.u32 s1, $0x2  }
0xce: {  	s3 =	sand.u32 $0x4000, s31;
	s1 =	sadd.s32 s1, s30  }
0xcf: {  	s0 =	sor.u32 s3, s0;
	s1 =	sshll.u32 s1, $0x11  }
0xd0: {  	s0 =	sor.u32 s1, s0  }
0xd1: {  	s0 =	sadd.s32 $0x8F2B, s0  }
0xd2: {  	[sflag:s0] =	ssyncadd.remote.s32 $0x1  }
0xd3: {  	_ =	sfence.sel $0xFFFF  }
0xd4: {  	[dreg:$0x0] =	wrdreg $0xFFFFFFFF;
	(pc) =	sbr.abs _section_cstart, $3  }
0xd5: {  	[dreg:$0x1] =	wrdreg $0xFFFFFFFF  }
0xd6: {  	_ =	task.clear_ibuf [dreg:s15], $0x2FFFF;
	_ =	strace $0x9FFFFFFF  }
0xd7: {  	(tm) =	ssettm $0x7FFFFFFF  }
tec
execute0_lowered:
.L_overlay_start_1:
0x0: {  	(tag) =	ssettag $0x1  }
0x1: {  	s11 =	rddreg [dreg:$0x0]  }
0x2: {  	s12 =	rddreg [dreg:$0x1]  }
0x3: {  	s0 =	rddreg [dreg:$0x2]  }
0x4: {  	s1 =	rddreg [dreg:$0x3]  }
0x5: {  	s2 =	rddreg [dreg:$0x4]  }
0x6: {  	s3 =	rddreg [dreg:$0x5]  }
0x7: {  	s6 =	rddreg [dreg:$0x6]  }
0x8: {  	s7 =	rddreg [dreg:$0x7];
	s4 =	srdreg.scid  }
0x9: {  	s8 =	rddreg [dreg:$0x8];
	s5 =	stileid.u32;
	s31 =	sand.u32 $0x1, s4  }
0xa: {  	s9 =	rddreg [dreg:$0x9];
	s13 =	sshll.u32 s5, $0x6;
	s14 =	sshll.u32 s31, $0x5  }
0xb: {  	s10 =	simm.s32 $0x0;
	s24 =	sshll.u32 s5, $0x9;
	s22 =	sor.u32 s14, s13  }
0xc: {  	[smem:$0x7FF] =	sst s10;
	s13 =	sor.u32 s24, s22  }
0xd: {  	s26 =	sadd.s32 $0x6600, s12;
	s14 =	sshrl.u32 s22, $0x3;
	s13 =	sand.u32 $0x1C60, s13  }
0xe: {  	_ =	strace $0x8000004A;
	s11 =	sadd.s32 s11, s14;
	s25 =	sshrl.u32 s13, $0x3  }
0xf: {  	[tilespmem:s10], [sflag:$0x1] =	stream.linear.gather [hbm4b:s11+s10], $0x20, $0x38;
	[tilespmem:$0x480] =	vst v63  }
0x10: {  	s13 =	simm.s32 $0x80;
	s12 =	sadd.s32 s26, s25  }
0x11: {  	[tilespmem:s13], [sflag:$0x1] =	stream.linear.gather [hbm4b:s12+s10], $0x20, $0x38;
	[tilespmem:$0x480] =	vst v63  }
0x12: {  	s15 =	simm.s32 $0x100;
	s14 =	sadd.s32 $0x10, s12  }
0x13: {  	[tilespmem:s15], [sflag:$0x1] =	stream.linear.gather [hbm4b:s14+s10], $0x20, $0x38;
	[tilespmem:$0x480] =	vst v63  }
0x14: {  	s17 =	simm.s32 $0x180;
	s21 =	sand.u32 $0x60, s22;
	s16 =	sadd.s32 $0x20, s12  }
0x15: {  	[tilespmem:s17], [sflag:$0x1] =	stream.linear.gather [hbm4b:s16+s10], $0x20, $0x38;
	[tilespmem:$0x480] =	vst v63  }
0x16: {  	s19 =	simm.s32 $0x200;
	s23 =	sshrl.u32 s21, $0x3;
	s18 =	sadd.s32 $0x30, s12  }
0x17: {  	[tilespmem:s19], [sflag:$0x1] =	stream.linear.gather [hbm4b:s18+s10], $0x20, $0x38;
	[tilespmem:$0x480] =	vst v63  }
0x18: {  	s21 =	simm.s32 $0x280;
	s25 =	sor.u32 s22, s23;
	s20 =	sadd.s32 $0x40, s12  }
0x19: {  	[tilespmem:s21], [sflag:$0x1] =	stream.linear.gather [hbm4b:s20+s10], $0x20, $0x38;
	[tilespmem:$0x480] =	vst v63  }
0x1a: {  	s23 =	simm.s32 $0x300;
	s22 =	sadd.s32 $0x50, s12;
	s24 =	sor.u32 $0x60, s25  }
0x1b: {  	[tilespmem:s23], [sflag:$0x1] =	stream.linear.gather [hbm4b:s22+s10], $0x20, $0x38;
	[tilespmem:$0x480] =	vst v63  }
0x1c: {  	s28 =	sor.u32 $0x70, s25;
	s25 =	simm.s32 $0x380;
	s24 =	sadd.s32 s26, s24  }
0x1d: {  	[tilespmem:s25], [sflag:$0x1] =	stream.linear.gather [hbm4b:s24+s10], $0x20, $0x38;
	[tilespmem:$0x480] =	vst v63  }
0x1e: {  	s29 =	simm.s32 $0x1;
	s26 =	sadd.s32 s26, s28;
	s28 =	simm.s32 $0x400  }
0x1f: {  	[tilespmem:s28], [sflag:$0x1] =	stream.linear.gather [hbm4b:s26+s10], $0x20, $0x38;
	[tilespmem:$0x480] =	vst v63  }
0x20: {  	_ =	swait.ge [sflag:s29], $0x20  }
0x21: {  	[sflag:s29] =	ssyncset.done $0x0  }
0x22: {  	[sflag:s29] =	ssyncadd.s32 $0xFFFFFFE0  }
0x23: {  	_ =	swait.ge [sflag:s29], $0x20  }
0x24: {  	[sflag:s29] =	ssyncset.done $0x0  }
0x25: {  	[sflag:s29] =	ssyncadd.s32 $0xFFFFFFE0  }
0x26: {  	_ =	swait.ge [sflag:s29], $0x20  }
0x27: {  	[sflag:s29] =	ssyncset.done $0x0  }
0x28: {  	[sflag:s29] =	ssyncadd.s32 $0xFFFFFFE0  }
0x29: {  	_ =	swait.ge [sflag:s29], $0x20  }
0x2a: {  	[sflag:s29] =	ssyncset.done $0x0  }
0x2b: {  	[sflag:s29] =	ssyncadd.s32 $0xFFFFFFE0  }
0x2c: {  	_ =	swait.ge [sflag:s29], $0x20  }
0x2d: {  	[sflag:s29] =	ssyncset.done $0x0  }
0x2e: {  	[sflag:s29] =	ssyncadd.s32 $0xFFFFFFE0  }
0x2f: {  	_ =	swait.ge [sflag:s29], $0x20  }
0x30: {  	[sflag:s29] =	ssyncset.done $0x0  }
0x31: {  	[sflag:s29] =	ssyncadd.s32 $0xFFFFFFE0  }
0x32: {  	_ =	swait.ge [sflag:s29], $0x20  }
0x33: {  	[sflag:s29] =	ssyncset.done $0x0  }
0x34: {  	[sflag:s29] =	ssyncadd.s32 $0xFFFFFFE0  }
0x35: {  	_ =	swait.ge [sflag:s29], $0x20  }
0x36: {  	[sflag:s29] =	ssyncset.done $0x0  }
0x37: {  	[sflag:s29] =	ssyncadd.s32 $0xFFFFFFE0  }
0x38: {  	_ =	swait.ge [sflag:s29], $0x20  }
0x39: {  	[sflag:s29] =	ssyncset.done $0x0  }
0x3a: {  	s30 =	simm.s32 $0x20;
	[sflag:s29] =	ssyncadd.s32 $0xFFFFFFE0  }
0x3b: {  	[hbm4b:s0+s30] =	stream.indirect.scatter [tilespmem:s13], [sflag:$0x1], $0x1, s10, s30, $0xb8;
	[tilespmem:$0x480] =	vst v63  }
0x3c: {  	_ = 	snop  }
0x3d: {  	[hbm4b:s1+s30] =	stream.indirect.scatter [tilespmem:s15], [sflag:$0x1], $0x1, s10, s30, $0xb8;
	[tilespmem:$0x480] =	vst v63  }
0x3e: {  	_ = 	snop  }
0x3f: {  	[hbm4b:s2+s30] =	stream.indirect.scatter [tilespmem:s17], [sflag:$0x1], $0x1, s10, s30, $0xb8;
	[tilespmem:$0x480] =	vst v63  }
0x40: {  	_ = 	snop  }
0x41: {  	[hbm4b:s3+s30] =	stream.indirect.scatter [tilespmem:s19], [sflag:$0x1], $0x1, s10, s30, $0xb8;
	[tilespmem:$0x480] =	vst v63  }
0x42: {  	_ = 	snop  }
0x43: {  	[hbm4b:s6+s30] =	stream.indirect.scatter [tilespmem:s21], [sflag:$0x1], $0x1, s10, s30, $0xb8;
	[tilespmem:$0x480] =	vst v63  }
0x44: {  	_ = 	snop  }
0x45: {  	[hbm4b:s7+s30] =	stream.indirect.scatter [tilespmem:s23], [sflag:$0x1], $0x1, s10, s30, $0xb8;
	[tilespmem:$0x480] =	vst v63  }
0x46: {  	_ = 	snop  }
0x47: {  	[hbm4b:s8+s30] =	stream.indirect.scatter [tilespmem:s25], [sflag:$0x1], $0x1, s10, s30, $0xb8;
	[tilespmem:$0x480] =	vst v63  }
0x48: {  	_ = 	snop  }
0x49: {  	[hbm4b:s9+s30] =	stream.indirect.scatter [tilespmem:s28], [sflag:$0x1], $0x1, s10, s30, $0xb8;
	[tilespmem:$0x480] =	vst v63  }
0x4a: {  	_ =	swait.ge [sflag:s29], $0x20  }
0x4b: {  	[sflag:s29] =	ssyncset.done $0x0  }
0x4c: {  	[sflag:s29] =	ssyncadd.s32 $0xFFFFFFE0  }
0x4d: {  	_ =	swait.ge [sflag:s29], $0x20  }
0x4e: {  	[sflag:s29] =	ssyncset.done $0x0  }
0x4f: {  	[sflag:s29] =	ssyncadd.s32 $0xFFFFFFE0  }
0x50: {  	_ =	swait.ge [sflag:s29], $0x20  }
0x51: {  	[sflag:s29] =	ssyncset.done $0x0  }
0x52: {  	[sflag:s29] =	ssyncadd.s32 $0xFFFFFFE0  }
0x53: {  	_ =	swait.ge [sflag:s29], $0x20  }
0x54: {  	[sflag:s29] =	ssyncset.done $0x0  }
0x55: {  	[sflag:s29] =	ssyncadd.s32 $0xFFFFFFE0  }
0x56: {  	_ =	swait.ge [sflag:s29], $0x20  }
0x57: {  	s31 =	ssub.s32 $0x2, s31;
	[sflag:s29] =	ssyncset.done $0x0  }
0x58: {  	s4 =	sshrl.u32 s31, $0x1;
	[sflag:s29] =	ssyncadd.s32 $0xFFFFFFE0  }
0x59: {  	s4 =	ssub.s32 s31, s4;
	_ =	swait.ge [sflag:s29], $0x20  }
0x5a: {  	s4 =	smax.u32 s4, $0x1;
	[sflag:s29] =	ssyncset.done $0x0  }
0x5b: {  	p0 =	sne.s32 s4, $0x1;
	[sflag:s29] =	ssyncadd.s32 $0xFFFFFFE0  }
.Ltmp0:
0x5c: {  	_ =	swait.ge [sflag:s29], $0x20;
	(pc) =	sbr.rel @!p0 .LBB2_2-.Ltmp0, $4  }
0x5d: {  	[sflag:s29] =	ssyncset.done $0x0  }
0x5e: {  	[sflag:s29] =	ssyncadd.s32 $0xFFFFFFE0  }
0x5f: {  	_ =	swait.ge [sflag:s29], $0x20  }
0x60: {  	s31 =	sadd.s32 $0xFFFFFFFF, s4;
	[sflag:s29] =	ssyncset.done $0x0  }
.LBB2_1:
0x61: {  	p0 =	sne.s32 s31, $0x1;
	s31 =	sadd.s32 $0xFFFFFFFF, s31;
	[sflag:s29] =	ssyncadd.s32 $0xFFFFFFE0  }
0x62: {  	[tilespmem:s10], [sflag:$0x1] =	stream.linear.gather [hbm4b:s11+s10], $0x20, $0x38;
	[tilespmem:$0x480] =	vst v63  }
0x63: {  	_ = 	snop  }
0x64: {  	[tilespmem:s13], [sflag:$0x1] =	stream.linear.gather [hbm4b:s12+s10], $0x20, $0x38;
	[tilespmem:$0x480] =	vst v63  }
0x65: {  	_ = 	snop  }
0x66: {  	[tilespmem:s15], [sflag:$0x1] =	stream.linear.gather [hbm4b:s14+s10], $0x20, $0x38;
	[tilespmem:$0x480] =	vst v63  }
0x67: {  	_ = 	snop  }
0x68: {  	[tilespmem:s17], [sflag:$0x1] =	stream.linear.gather [hbm4b:s16+s10], $0x20, $0x38;
	[tilespmem:$0x480] =	vst v63  }
0x69: {  	_ = 	snop  }
0x6a: {  	[tilespmem:s19], [sflag:$0x1] =	stream.linear.gather [hbm4b:s18+s10], $0x20, $0x38;
	[tilespmem:$0x480] =	vst v63  }
0x6b: {  	_ = 	snop  }
0x6c: {  	[tilespmem:s21], [sflag:$0x1] =	stream.linear.gather [hbm4b:s20+s10], $0x20, $0x38;
	[tilespmem:$0x480] =	vst v63  }
0x6d: {  	_ = 	snop  }
0x6e: {  	[tilespmem:s23], [sflag:$0x1] =	stream.linear.gather [hbm4b:s22+s10], $0x20, $0x38;
	[tilespmem:$0x480] =	vst v63  }
0x6f: {  	_ = 	snop  }
0x70: {  	[tilespmem:s25], [sflag:$0x1] =	stream.linear.gather [hbm4b:s24+s10], $0x20, $0x38;
	[tilespmem:$0x480] =	vst v63  }
0x71: {  	_ = 	snop  }
0x72: {  	[tilespmem:s28], [sflag:$0x1] =	stream.linear.gather [hbm4b:s26+s10], $0x20, $0x38;
	[tilespmem:$0x480] =	vst v63  }
0x73: {  	_ =	swait.ge [sflag:s29], $0x20  }
0x74: {  	[sflag:s29] =	ssyncset.done $0x0  }
0x75: {  	[sflag:s29] =	ssyncadd.s32 $0xFFFFFFE0  }
0x76: {  	_ =	swait.ge [sflag:s29], $0x20  }
0x77: {  	[sflag:s29] =	ssyncset.done $0x0  }
0x78: {  	[sflag:s29] =	ssyncadd.s32 $0xFFFFFFE0  }
0x79: {  	_ =	swait.ge [sflag:s29], $0x20  }
0x7a: {  	[sflag:s29] =	ssyncset.done $0x0  }
0x7b: {  	[sflag:s29] =	ssyncadd.s32 $0xFFFFFFE0  }
0x7c: {  	_ =	swait.ge [sflag:s29], $0x20  }
0x7d: {  	[sflag:s29] =	ssyncset.done $0x0  }
0x7e: {  	[sflag:s29] =	ssyncadd.s32 $0xFFFFFFE0  }
0x7f: {  	_ =	swait.ge [sflag:s29], $0x20  }
0x80: {  	[sflag:s29] =	ssyncset.done $0x0  }
0x81: {  	[sflag:s29] =	ssyncadd.s32 $0xFFFFFFE0  }
0x82: {  	_ =	swait.ge [sflag:s29], $0x20  }
0x83: {  	[sflag:s29] =	ssyncset.done $0x0  }
0x84: {  	[sflag:s29] =	ssyncadd.s32 $0xFFFFFFE0  }
0x85: {  	_ =	swait.ge [sflag:s29], $0x20  }
0x86: {  	[sflag:s29] =	ssyncset.done $0x0  }
0x87: {  	[sflag:s29] =	ssyncadd.s32 $0xFFFFFFE0  }
0x88: {  	_ =	swait.ge [sflag:s29], $0x20  }
0x89: {  	[sflag:s29] =	ssyncset.done $0x0  }
0x8a: {  	[sflag:s29] =	ssyncadd.s32 $0xFFFFFFE0  }
0x8b: {  	_ =	swait.ge [sflag:s29], $0x20  }
0x8c: {  	[sflag:s29] =	ssyncset.done $0x0  }
0x8d: {  	[sflag:s29] =	ssyncadd.s32 $0xFFFFFFE0  }
0x8e: {  	[hbm4b:s0+s30] =	stream.indirect.scatter [tilespmem:s13], [sflag:$0x1], $0x1, s10, s30, $0xb8;
	[tilespmem:$0x480] =	vst v63  }
0x8f: {  	_ = 	snop  }
0x90: {  	[hbm4b:s1+s30] =	stream.indirect.scatter [tilespmem:s15], [sflag:$0x1], $0x1, s10, s30, $0xb8;
	[tilespmem:$0x480] =	vst v63  }
0x91: {  	_ = 	snop  }
0x92: {  	[hbm4b:s2+s30] =	stream.indirect.scatter [tilespmem:s17], [sflag:$0x1], $0x1, s10, s30, $0xb8;
	[tilespmem:$0x480] =	vst v63  }
0x93: {  	_ = 	snop  }
0x94: {  	[hbm4b:s3+s30] =	stream.indirect.scatter [tilespmem:s19], [sflag:$0x1], $0x1, s10, s30, $0xb8;
	[tilespmem:$0x480] =	vst v63  }
0x95: {  	_ = 	snop  }
0x96: {  	[hbm4b:s6+s30] =	stream.indirect.scatter [tilespmem:s21], [sflag:$0x1], $0x1, s10, s30, $0xb8;
	[tilespmem:$0x480] =	vst v63  }
0x97: {  	_ = 	snop  }
0x98: {  	[hbm4b:s7+s30] =	stream.indirect.scatter [tilespmem:s23], [sflag:$0x1], $0x1, s10, s30, $0xb8;
	[tilespmem:$0x480] =	vst v63  }
0x99: {  	_ = 	snop  }
0x9a: {  	[hbm4b:s8+s30] =	stream.indirect.scatter [tilespmem:s25], [sflag:$0x1], $0x1, s10, s30, $0xb8;
	[tilespmem:$0x480] =	vst v63  }
0x9b: {  	_ = 	snop  }
0x9c: {  	[hbm4b:s9+s30] =	stream.indirect.scatter [tilespmem:s28], [sflag:$0x1], $0x1, s10, s30, $0xb8;
	[tilespmem:$0x480] =	vst v63  }
0x9d: {  	_ =	swait.ge [sflag:s29], $0x20  }
0x9e: {  	[sflag:s29] =	ssyncset.done $0x0  }
0x9f: {  	[sflag:s29] =	ssyncadd.s32 $0xFFFFFFE0  }
0xa0: {  	_ =	swait.ge [sflag:s29], $0x20  }
0xa1: {  	[sflag:s29] =	ssyncset.done $0x0  }
0xa2: {  	[sflag:s29] =	ssyncadd.s32 $0xFFFFFFE0  }
0xa3: {  	_ =	swait.ge [sflag:s29], $0x20  }
0xa4: {  	[sflag:s29] =	ssyncset.done $0x0  }
0xa5: {  	[sflag:s29] =	ssyncadd.s32 $0xFFFFFFE0  }
0xa6: {  	_ =	swait.ge [sflag:s29], $0x20  }
0xa7: {  	[sflag:s29] =	ssyncset.done $0x0  }
0xa8: {  	[sflag:s29] =	ssyncadd.s32 $0xFFFFFFE0  }
0xa9: {  	_ =	swait.ge [sflag:s29], $0x20  }
0xaa: {  	[sflag:s29] =	ssyncset.done $0x0  }
0xab: {  	[sflag:s29] =	ssyncadd.s32 $0xFFFFFFE0  }
0xac: {  	_ =	swait.ge [sflag:s29], $0x20  }
0xad: {  	[sflag:s29] =	ssyncset.done $0x0  }
0xae: {  	[sflag:s29] =	ssyncadd.s32 $0xFFFFFFE0  }
.Ltmp1:
0xaf: {  	_ =	swait.ge [sflag:s29], $0x20;
	(pc) =	sbr.rel @p0 .LBB2_1-.Ltmp1, $4  }
0xb0: {  	[sflag:s29] =	ssyncset.done $0x0  }
0xb1: {  	[sflag:s29] =	ssyncadd.s32 $0xFFFFFFE0  }
0xb2: {  	_ =	swait.ge [sflag:s29], $0x20  }
0xb3: {  	[sflag:s29] =	ssyncset.done $0x0  }
.LBB2_2:
0xb4: {  	[sflag:s29] =	ssyncadd.s32 $0xFFFFFFE0  }
0xb5: {  	_ =	sfence.sel $0x180000  }
0xb6: {  	[bflag:$0x0] =	sbarrier.arrive $0xFFFF  }
0xb7: {  	_ =	strace $0x9000004A  }
0xb8: {  	[bflag:$0x2] =	sbarrier.arrive $0xFFFF  }
0xb9: {  	p0 =	sne.s32 s5, $0x0;
	s0 =	rddreg [dreg:$0xa]  }
0xba: {  	s0 =	sadd.s32 @!p0 $0x100000, s0  }
0xbb: {  	[sflag:s0] =	ssyncadd.tile.s32 @!p0 $0x1;
	_ =	shalt  }
.Lfunc_end2:
_tile_overlayer_lowered:
.L_overlay_start_2:
0xbc: {  	(tag) =	ssettag $0x2  }
0xbd: {  	s0 =	rddreg [dreg:$0x0];
	s2 =	stileid.u32  }
0xbe: {  	s1 =	rddreg [dreg:$0x1];
	p0 =	sne.s32 s2, $0x0  }
0xbf: {  	s3 =	rddreg [dreg:$0x2];
	[bflag:$0x3] =	sbarrier.arrive $0xFFFF;
	s2 =	simm.s32 @!p0 $0x1C02  }
0xc0: {  	[timem:s3], [sflag:s2] =	dma.local @!p0 [hbm:s0], s1  }
0xc1: {  	s0 =	simm.s32 @!p0 $0x2  }
0xc2: {  	_ =	swait.ge @!p0 [sflag:s0], s1  }
0xc3: {  	s1 =	ssub.s32 @!p0 $0x0, s1;
	[sflag:s0] =	ssyncset.done @!p0 $0x0  }
0xc4: {  	[sflag:s0] =	ssyncadd.s32 @!p0 s1  }
0xc5: {  	[bflag:$0x3] =	sbarrier.arrive $0xFFFF  }
0xc6: {  	_ =	shalt  }

</sc_bundles>
